<compile_context>
chip_gen: v7x
topology: tpu7x:2x2x1
jax: 0.10.2.dev20260603
libtpu: 0.0.44.dev20260713+nightly
codegen_flags: <defaults>
</compile_context>

<pallas_src>
import functools

import jax
import jax.numpy as jnp
from jax import lax
from jax.experimental import pallas as pl
from jax.experimental.pallas import tpu as pltpu
from jax.experimental.pallas import tpu_sc as plsc

B = 8
N_CLS = 64
SEQ = 77
N_CTX = 4
D = 512
LANES = 16
NPLANES = SEQ - N_CTX

_info = plsc.get_sparse_core_info()
_NC = _info.num_cores
_NS = _info.num_subcores
_NW = _NC * _NS
_MAXP = -(-NPLANES // _NW)


def _mlp_body(im_ref, w1_ref, b1_ref, w2_ref, b2_ref, ctx_ref, ub_ref, out_ref):
    h = jnp.maximum(
        jnp.dot(im_ref[...], w1_ref[...], preferred_element_type=jnp.float32)
        + b1_ref[...],
        0.0,
    )
    bias = (
        jnp.dot(h, w2_ref[...], preferred_element_type=jnp.float32) + b2_ref[...]
    ) * ub_ref[0, 0]
    out = ctx_ref[...][None, :, :] + bias[:, None, :]
    out_ref[...] = out.reshape(B * N_CTX, 1, D)


def _meta_net_ctx(im_features, W1, b1, W2, b2, ctx, use_bias):
    ub = jnp.asarray(use_bias, jnp.float32).reshape(1, 1)
    return pl.pallas_call(
        _mlp_body,
        out_shape=jax.ShapeDtypeStruct((B * N_CTX, 1, D), jnp.float32),
    )(im_features, W1, b1.reshape(1, -1), W2, b2.reshape(1, -1), ctx, ub)


@functools.partial(
    pl.kernel,
    mesh=plsc.VectorSubcoreMesh(core_axis_name="c", subcore_axis_name="s"),
    out_type=jax.ShapeDtypeStruct((B, SEQ, N_CLS, D), jnp.float32),
    scratch_types=[
        pltpu.VMEM((1, N_CLS), jnp.int32),
        pltpu.VMEM((1, D), jnp.float32),
        pltpu.VMEM((N_CLS, D), jnp.float32),
        pltpu.VMEM((N_CLS, D), jnp.float32),
        pltpu.SemaphoreType.DMA,
        pltpu.SemaphoreType.DMA,
        pltpu.SemaphoreType.DMA,
    ],
)
def _sc_assemble(table_hbm, tok_hbm, ctxs_hbm, out_hbm,
                 idx_v, ctxrow_v, buf_a, buf_b,
                 gsem, ssem_a, ssem_b):
    wid = lax.axis_index("s") * _NC + lax.axis_index("c")

    bufs = (buf_a, buf_b)
    ssems = (ssem_a, ssem_b)
    tot = NPLANES * B
    lo = (tot * wid) // _NW
    hi = (tot * (wid + 1)) // _NW
    p_base = lo // B
    s0 = jnp.where(p_base == 0, 0, p_base + N_CTX)
    pltpu.sync_copy(tok_hbm.at[s0], idx_v)
    g0 = pltpu.async_copy(table_hbm.at[idx_v.at[0]], buf_b, gsem)

    pltpu.sync_copy(ctxs_hbm.at[wid], ctxrow_v)

    def fill_row(r):
        def chunk(k):
            buf_a[r, pl.ds(k * LANES, LANES)] = ctxrow_v[0, pl.ds(k * LANES, LANES)]
        pl.loop(0, D // LANES)(chunk)

    pl.loop(0, N_CLS)(fill_row)
    b_ctx = wid // N_CTX
    j_ctx = wid % N_CTX
    pltpu.async_copy(buf_a, out_hbm.at[b_ctx, 1 + j_ctx], ssem_a)

    g0.wait()
    t_hi0 = jnp.minimum(hi, (p_base + 1) * B)

    def store0(b):
        pltpu.async_copy(buf_b, out_hbm.at[b, s0], ssem_b)
    pl.loop(lo - p_base * B, t_hi0 - p_base * B)(store0)

    outstanding = [jnp.int32(1), t_hi0 - lo]
    for i in range(1, 4):
        p = p_base + i
        t_lo = jnp.maximum(lo, p * B)
        t_hi = jnp.minimum(hi, (p + 1) * B)
        n_i = jnp.maximum(t_hi - t_lo, 0)
        slot = (i + 1) % 2
        buf = bufs[slot]
        sem = ssems[slot]

        def drain(_, buf=buf, sem=sem):
            pltpu.make_async_copy(buf, out_hbm.at[0, 0], sem).wait()
        pl.loop(0, outstanding[slot])(drain)
        outstanding[slot] = n_i

        @pl.when(n_i > 0)
        def _(p=p, t_lo=t_lo, t_hi=t_hi, buf=buf, sem=sem):
            s = jnp.where(p == 0, 0, p + N_CTX)
            pltpu.sync_copy(tok_hbm.at[s], idx_v)
            pltpu.async_copy(table_hbm.at[idx_v.at[0]], buf, gsem).wait()
            def store(b, buf=buf, sem=sem, s=s):
                pltpu.async_copy(buf, out_hbm.at[b, s], sem)
            pl.loop(t_lo - p * B, t_hi - p * B)(store)

    for slot in (0, 1):
        def drain(_, slot=slot):
            pltpu.make_async_copy(bufs[slot], out_hbm.at[0, 0], ssems[slot]).wait()
        pl.loop(0, outstanding[slot])(drain)


def kernel(im_features, token_embedding, ctx, W1, b1, W2, b2,
           tokenized_prompts, use_bias=True):
    ctxs2 = _meta_net_ctx(im_features, W1, b1, W2, b2, ctx, use_bias)
    tok_t = tokenized_prompts.T.reshape(SEQ, 1, N_CLS)
    out_t = _sc_assemble(token_embedding, tok_t, ctxs2)
    special_prompts = jnp.transpose(out_t, (0, 2, 1, 3))
    return (special_prompts, tokenized_prompts)

# --- scband reference (transcript-rebuilt; emitter-appended) ---
"""Pipeline reference for scband-specific-textual-prompt-41231686042299 (READ-ONLY COPY).

The authoritative reference and input builder live on the scoring server;
editing this copy changes nothing except your own understanding.
"""

import jax, jax.numpy as jnp
import numpy as np

B = 8          # image batch
N_CLS = 64     # number of class prompts per forward
SEQ = 77       # CLIP context length
N_CTX = 4      # learnable context tokens
CTX_DIM = 512  # CLIP text width (ln_final.weight.shape[0])
VIS_DIM = 512  # CLIP visual output dim
VOCAB = 49408  # CLIP BPE vocab
HID = VIS_DIM // 16


def setup_inputs(seed: int = 0):
    key = jax.random.key(seed)
    ks = jax.random.split(key, 8)
    im_features = jax.random.normal(ks[0], (B, VIS_DIM), dtype=jnp.float32)
    tokenized_prompts = jax.random.randint(ks[1], (N_CLS, SEQ), 0, VOCAB).astype(jnp.int32)
    token_embedding = jax.random.normal(ks[2], (VOCAB, CTX_DIM), dtype=jnp.float32) * 0.02
    ctx = jax.random.normal(ks[3], (N_CTX, CTX_DIM), dtype=jnp.float32) * 0.02
    W1 = jax.random.normal(ks[4], (VIS_DIM, HID), dtype=jnp.float32) * 0.02
    b1 = jnp.zeros((HID,), dtype=jnp.float32)
    W2 = jax.random.normal(ks[5], (HID, CTX_DIM), dtype=jnp.float32) * 0.02
    b2 = jnp.zeros((CTX_DIM,), dtype=jnp.float32)
    return {
        'im_features': im_features,
        'token_embedding': token_embedding,
        'ctx': ctx,
        'W1': W1, 'b1': b1, 'W2': W2, 'b2': b2,
        'tokenized_prompts': tokenized_prompts,
        'use_bias': True,
    }


def reference(im_features, token_embedding, ctx, W1, b1, W2, b2, tokenized_prompts, use_bias=True):
    # clip_model.token_embedding(tokenized_prompts) under torch.no_grad()
    embedding = jax.lax.stop_gradient(jnp.take(token_embedding, tokenized_prompts, axis=0))  # [n_cls, 77, ctx_dim]
    prefix = embedding[:, :1, :]                 # SOS token embedding  [n_cls, 1, d]
    suffix = embedding[:, 1 + N_CTX:, :]         # class tokens + EOS   [n_cls, 77-1-n_ctx, d]
    b = im_features.shape[0]
    n_cls = tokenized_prompts.shape[0]
    # meta_net: Linear -> ReLU -> Linear
    h = jnp.maximum(im_features @ W1 + b1, 0.0)
    bias = h @ W2 + b2                       # [B, ctx_dim]
    ctx_with_bias = ctx[None, :, :] + bias[:, None, :]   # [B, n_ctx, d]
    ctx_plain = jnp.broadcast_to(ctx[None, :, :], (b, N_CTX, CTX_DIM))
    ctx_shifted = jnp.where(use_bias, ctx_with_bias, ctx_plain)
    # per-image, per-class prompt assembly: cat([prefix, ctx_i, suffix], dim=1), stacked over batch
    prefix_b = jnp.broadcast_to(prefix[None, :, :, :], (b, n_cls, 1, CTX_DIM))
    ctx_b = jnp.broadcast_to(ctx_shifted[:, None, :, :], (b, n_cls, N_CTX, CTX_DIM))
    suffix_b = jnp.broadcast_to(suffix[None, :, :, :], (b, n_cls, SEQ - 1 - N_CTX, CTX_DIM))
    special_prompts = jnp.concatenate([prefix_b, ctx_b, suffix_b], axis=2)  # [B, n_cls, 77, d]
    return (special_prompts, tokenized_prompts)

if __name__ == "__main__":
    import jax
    _d = setup_inputs()
    print(jax.jit(kernel)(*tuple(_d.values())))

</pallas_src>

<mosaic_0001>
#map = affine_map<(d0, d1) -> (0, 0)>
#map1 = affine_map<(d0, d1) -> (0, 0, 0)>
#map2 = affine_map<(d0, d1) -> (0, 0, 0, 0)>
module attributes {stable_mosaic.version = 14 : i64} {
  func.func @_sc_assemble(%arg0: i32, %arg1: i32, %arg2: memref<49408x512xf32, #tpu.memory_space<hbm>>, %arg3: memref<77x1x64xi32, #tpu.memory_space<hbm>>, %arg4: memref<32x1x512xf32, #tpu.memory_space<hbm>>, %arg5: memref<8x77x64x512xf32, #tpu.memory_space<hbm>>, %arg6: memref<1x64xi32, #tpu.memory_space<vmem>>, %arg7: memref<1x512xf32, #tpu.memory_space<vmem>>, %arg8: memref<64x512xf32, #tpu.memory_space<vmem>>, %arg9: memref<64x512xf32, #tpu.memory_space<vmem>>, %arg10: memref<!tpu.dma_semaphore, #tpu.memory_space<semaphore_mem>>, %arg11: memref<!tpu.dma_semaphore, #tpu.memory_space<semaphore_mem>>, %arg12: memref<!tpu.dma_semaphore, #tpu.memory_space<semaphore_mem>>) attributes {dimension_semantics = [#tpu.dimension_semantics<core_parallel>, #tpu.dimension_semantics<subcore_parallel>], iteration_bounds = array<i64: 2, 16>, scalar_prefetch = 0 : i64, scratch_operands = 7 : i64, tpu.core_type = #tpu.core_type<sc_vector_subcore>, window_params = [{transform_indices = #map}, {transform_indices = #map1}, {transform_indices = #map1}, {transform_indices = #map2}]} {
    %mul3A = arith.constant 2 : i32
    %mul3A_0 = arith.muli %arg1, %mul3A : i32
    %add3A = arith.addi %mul3A_0, %arg0 : i32
    %mul3A_1 = arith.constant 584 : i32
    %mul3A_2 = arith.muli %mul3A_1, %add3A : i32
    %jit3A = arith.constant 32 : i32
    %div3A = arith.divsi %mul3A_2, %jit3A : i32
    %sign3A = arith.constant 0 : i32
    %sign3A_3 = arith.cmpi sgt, %mul3A_2, %sign3A : i32
    %sign3A_4 = arith.extui %sign3A_3 : i1 to i32
    %sign3A_5 = arith.constant 0 : i32
    %sign3A_6 = arith.cmpi slt, %mul3A_2, %sign3A_5 : i32
    %sign3A_7 = arith.extui %sign3A_6 : i1 to i32
    %sign3A_8 = arith.subi %sign3A_4, %sign3A_7 : i32
    %sign3A_9 = arith.constant 0 : i32
    %sign3A_10 = arith.cmpi sgt, %jit3A, %sign3A_9 : i32
    %sign3A_11 = arith.extui %sign3A_10 : i1 to i32
    %sign3A_12 = arith.constant 0 : i32
    %sign3A_13 = arith.cmpi slt, %jit3A, %sign3A_12 : i32
    %sign3A_14 = arith.extui %sign3A_13 : i1 to i32
    %sign3A_15 = arith.subi %sign3A_11, %sign3A_14 : i32
    %ne3A = arith.cmpi ne, %sign3A_8, %sign3A_15 : i32
    %rem3A = arith.remsi %mul3A_2, %jit3A : i32
    %ne3A_16 = arith.constant 0 : i32
    %ne3A_17 = arith.cmpi ne, %rem3A, %ne3A_16 : i32
    %and3A = arith.andi %ne3A, %ne3A_17 : i1
    %sub3A = arith.constant 1 : i32
    %sub3A_18 = arith.subi %div3A, %sub3A : i32
    %select_n3A = arith.select %and3A, %sub3A_18, %div3A : i32
    %add3A_19 = arith.constant 1 : i32
    %add3A_20 = arith.addi %add3A, %add3A_19 : i32
    %mul3A_21 = arith.constant 584 : i32
    %mul3A_22 = arith.muli %mul3A_21, %add3A_20 : i32
    %jit3A_23 = arith.constant 32 : i32
    %div3A_24 = arith.divsi %mul3A_22, %jit3A_23 : i32
    %sign3A_25 = arith.constant 0 : i32
    %sign3A_26 = arith.cmpi sgt, %mul3A_22, %sign3A_25 : i32
    %sign3A_27 = arith.extui %sign3A_26 : i1 to i32
    %sign3A_28 = arith.constant 0 : i32
    %sign3A_29 = arith.cmpi slt, %mul3A_22, %sign3A_28 : i32
    %sign3A_30 = arith.extui %sign3A_29 : i1 to i32
    %sign3A_31 = arith.subi %sign3A_27, %sign3A_30 : i32
    %sign3A_32 = arith.constant 0 : i32
    %sign3A_33 = arith.cmpi sgt, %jit3A_23, %sign3A_32 : i32
    %sign3A_34 = arith.extui %sign3A_33 : i1 to i32
    %sign3A_35 = arith.constant 0 : i32
    %sign3A_36 = arith.cmpi slt, %jit3A_23, %sign3A_35 : i32
    %sign3A_37 = arith.extui %sign3A_36 : i1 to i32
    %sign3A_38 = arith.subi %sign3A_34, %sign3A_37 : i32
    %ne3A_39 = arith.cmpi ne, %sign3A_31, %sign3A_38 : i32
    %rem3A_40 = arith.remsi %mul3A_22, %jit3A_23 : i32
    %ne3A_41 = arith.constant 0 : i32
    %ne3A_42 = arith.cmpi ne, %rem3A_40, %ne3A_41 : i32
    %and3A_43 = arith.andi %ne3A_39, %ne3A_42 : i1
    %sub3A_44 = arith.constant 1 : i32
    %sub3A_45 = arith.subi %div3A_24, %sub3A_44 : i32
    %select_n3A_46 = arith.select %and3A_43, %sub3A_45, %div3A_24 : i32
    %jit3A_47 = arith.constant 8 : i32
    %div3A_48 = arith.divsi %select_n3A, %jit3A_47 : i32
    %sign3A_49 = arith.constant 0 : i32
    %sign3A_50 = arith.cmpi sgt, %select_n3A, %sign3A_49 : i32
    %sign3A_51 = arith.extui %sign3A_50 : i1 to i32
    %sign3A_52 = arith.constant 0 : i32
    %sign3A_53 = arith.cmpi slt, %select_n3A, %sign3A_52 : i32
    %sign3A_54 = arith.extui %sign3A_53 : i1 to i32
    %sign3A_55 = arith.subi %sign3A_51, %sign3A_54 : i32
    %sign3A_56 = arith.constant 0 : i32
    %sign3A_57 = arith.cmpi sgt, %jit3A_47, %sign3A_56 : i32
    %sign3A_58 = arith.extui %sign3A_57 : i1 to i32
    %sign3A_59 = arith.constant 0 : i32
    %sign3A_60 = arith.cmpi slt, %jit3A_47, %sign3A_59 : i32
    %sign3A_61 = arith.extui %sign3A_60 : i1 to i32
    %sign3A_62 = arith.subi %sign3A_58, %sign3A_61 : i32
    %ne3A_63 = arith.cmpi ne, %sign3A_55, %sign3A_62 : i32
    %rem3A_64 = arith.remsi %select_n3A, %jit3A_47 : i32
    %ne3A_65 = arith.constant 0 : i32
    %ne3A_66 = arith.cmpi ne, %rem3A_64, %ne3A_65 : i32
    %and3A_67 = arith.andi %ne3A_63, %ne3A_66 : i1
    %sub3A_68 = arith.constant 1 : i32
    %sub3A_69 = arith.subi %div3A_48, %sub3A_68 : i32
    %select_n3A_70 = arith.select %and3A_67, %sub3A_69, %div3A_48 : i32
    %eq3A = arith.constant 0 : i32
    %eq3A_71 = arith.cmpi eq, %select_n3A_70, %eq3A : i32
    %add3A_72 = arith.constant 4 : i32
    %add3A_73 = arith.addi %select_n3A_70, %add3A_72 : i32
    %jit3A_74 = arith.constant 0 : i32
    %select_n3A_75 = arith.select %eq3A_71, %jit3A_74, %add3A_73 : i32
    "tpu.region"() ({
      %run_scoped3A = tpu.sem_alloc : memref<!tpu.dma_semaphore, #tpu.memory_space<semaphore_mem>>
      %dma_start3A_314 = arith.constant 0 : i32
      %dma_start3A_315 = arith.constant 0 : i32
      %dma_start3A_316 = tpu.memref_slice %arg3[%select_n3A_75, %dma_start3A_314, %dma_start3A_315] : memref<77x1x64xi32, #tpu.memory_space<hbm>> -> memref<1x1x64xi32, #tpu.memory_space<hbm>>
      %dma_start3A_317 = tpu.memref_squeeze %dma_start3A_316 : memref<1x1x64xi32, #tpu.memory_space<hbm>> -> memref<1x64xi32, #tpu.memory_space<hbm>>
      %dma_start3A_318 = arith.constant 0 : i32
      %dma_start3A_319 = arith.constant 0 : i32
      %dma_start3A_320 = tpu.memref_slice %arg3[%select_n3A_75, %dma_start3A_318, %dma_start3A_319] : memref<77x1x64xi32, #tpu.memory_space<hbm>> -> memref<1x1x64xi32, #tpu.memory_space<hbm>>
      %dma_start3A_321 = tpu.memref_squeeze %dma_start3A_320 : memref<1x1x64xi32, #tpu.memory_space<hbm>> -> memref<1x64xi32, #tpu.memory_space<hbm>>
      tpu.enqueue_dma source(%dma_start3A_321 : memref<1x64xi32, #tpu.memory_space<hbm>>) target(%arg6 : memref<1x64xi32, #tpu.memory_space<vmem>>) target_semaphore(%run_scoped3A : memref<!tpu.dma_semaphore, #tpu.memory_space<semaphore_mem>>)
      %dma_wait3A_322 = arith.constant 0 : i32
      %dma_wait3A_323 = arith.constant 0 : i32
      %dma_wait3A_324 = tpu.memref_slice %arg3[%select_n3A_75, %dma_wait3A_322, %dma_wait3A_323] : memref<77x1x64xi32, #tpu.memory_space<hbm>> -> memref<1x1x64xi32, #tpu.memory_space<hbm>>
      %dma_wait3A_325 = tpu.memref_squeeze %dma_wait3A_324 : memref<1x1x64xi32, #tpu.memory_space<hbm>> -> memref<1x64xi32, #tpu.memory_space<hbm>>
      %dma_wait3A_326 = arith.constant 0 : i32
      %dma_wait3A_327 = arith.constant 0 : i32
      %dma_wait3A_328 = tpu.memref_slice %arg3[%select_n3A_75, %dma_wait3A_326, %dma_wait3A_327] : memref<77x1x64xi32, #tpu.memory_space<hbm>> -> memref<1x1x64xi32, #tpu.memory_space<hbm>>
      %dma_wait3A_329 = tpu.memref_squeeze %dma_wait3A_328 : memref<1x1x64xi32, #tpu.memory_space<hbm>> -> memref<1x64xi32, #tpu.memory_space<hbm>>
      tpu.wait_dma2 semaphore(%run_scoped3A : memref<!tpu.dma_semaphore, #tpu.memory_space<semaphore_mem>>) src(%dma_wait3A_329 : memref<1x64xi32, #tpu.memory_space<hbm>>) dst(%arg6 : memref<1x64xi32, #tpu.memory_space<vmem>>)
      tpu.yield
    }) : () -> ()
    %dma_start3A = arith.constant 0 : i32
    %dma_start3A_76 = arith.constant 0 : i32
    %dma_start3A_77 = tpu.memref_slice %arg6[%dma_start3A, %dma_start3A_76] : memref<1x64xi32, #tpu.memory_space<vmem>> -> memref<1x64xi32, #tpu.memory_space<vmem>>
    %dma_start3A_78 = tpu.memref_squeeze %dma_start3A_77 : memref<1x64xi32, #tpu.memory_space<vmem>> -> memref<64xi32, #tpu.memory_space<vmem>>
    %dma_start3A_79 = arith.constant 0 : i32
    %dma_start3A_80 = arith.constant 0 : i32
    %dma_start3A_81 = tpu.memref_slice %arg2[%dma_start3A_79, %dma_start3A_80] : memref<49408x512xf32, #tpu.memory_space<hbm>> -> memref<49408x512xf32, #tpu.memory_space<hbm>>
    tpu.enqueue_indirect_dma source(%dma_start3A_81 : memref<49408x512xf32, #tpu.memory_space<hbm>>) target(%arg9 : memref<64x512xf32, #tpu.memory_space<vmem>>) offsets(%dma_start3A_78 : memref<64xi32, #tpu.memory_space<vmem>>) semaphore(%arg10 : memref<!tpu.dma_semaphore, #tpu.memory_space<semaphore_mem>>)
    "tpu.region"() ({
      %run_scoped3A = tpu.sem_alloc : memref<!tpu.dma_semaphore, #tpu.memory_space<semaphore_mem>>
      %dma_start3A_314 = arith.constant 0 : i32
      %dma_start3A_315 = arith.constant 0 : i32
      %dma_start3A_316 = tpu.memref_slice %arg4[%add3A, %dma_start3A_314, %dma_start3A_315] : memref<32x1x512xf32, #tpu.memory_space<hbm>> -> memref<1x1x512xf32, #tpu.memory_space<hbm>>
      %dma_start3A_317 = tpu.memref_squeeze %dma_start3A_316 : memref<1x1x512xf32, #tpu.memory_space<hbm>> -> memref<1x512xf32, #tpu.memory_space<hbm>>
      %dma_start3A_318 = arith.constant 0 : i32
      %dma_start3A_319 = arith.constant 0 : i32
      %dma_start3A_320 = tpu.memref_slice %arg4[%add3A, %dma_start3A_318, %dma_start3A_319] : memref<32x1x512xf32, #tpu.memory_space<hbm>> -> memref<1x1x512xf32, #tpu.memory_space<hbm>>
      %dma_start3A_321 = tpu.memref_squeeze %dma_start3A_320 : memref<1x1x512xf32, #tpu.memory_space<hbm>> -> memref<1x512xf32, #tpu.memory_space<hbm>>
      tpu.enqueue_dma source(%dma_start3A_321 : memref<1x512xf32, #tpu.memory_space<hbm>>) target(%arg7 : memref<1x512xf32, #tpu.memory_space<vmem>>) target_semaphore(%run_scoped3A : memref<!tpu.dma_semaphore, #tpu.memory_space<semaphore_mem>>)
      %dma_wait3A_322 = arith.constant 0 : i32
      %dma_wait3A_323 = arith.constant 0 : i32
      %dma_wait3A_324 = tpu.memref_slice %arg4[%add3A, %dma_wait3A_322, %dma_wait3A_323] : memref<32x1x512xf32, #tpu.memory_space<hbm>> -> memref<1x1x512xf32, #tpu.memory_space<hbm>>
      %dma_wait3A_325 = tpu.memref_squeeze %dma_wait3A_324 : memref<1x1x512xf32, #tpu.memory_space<hbm>> -> memref<1x512xf32, #tpu.memory_space<hbm>>
      %dma_wait3A_326 = arith.constant 0 : i32
      %dma_wait3A_327 = arith.constant 0 : i32
      %dma_wait3A_328 = tpu.memref_slice %arg4[%add3A, %dma_wait3A_326, %dma_wait3A_327] : memref<32x1x512xf32, #tpu.memory_space<hbm>> -> memref<1x1x512xf32, #tpu.memory_space<hbm>>
      %dma_wait3A_329 = tpu.memref_squeeze %dma_wait3A_328 : memref<1x1x512xf32, #tpu.memory_space<hbm>> -> memref<1x512xf32, #tpu.memory_space<hbm>>
      tpu.wait_dma2 semaphore(%run_scoped3A : memref<!tpu.dma_semaphore, #tpu.memory_space<semaphore_mem>>) src(%dma_wait3A_329 : memref<1x512xf32, #tpu.memory_space<hbm>>) dst(%arg7 : memref<1x512xf32, #tpu.memory_space<vmem>>)
      tpu.yield
    }) : () -> ()
    %scan3A = arith.constant 0 : i32
    %scan3A_82 = arith.constant 64 : i32
    %scan3A_83 = arith.addi %scan3A, %scan3A_82 : i32
    %scan3A_84 = arith.constant 1 : i32
    scf.for %scan3A_314 = %scan3A to %scan3A_83 step %scan3A_84  : i32 {
      %mul3A_315 = arith.constant 1 : i32
      %mul3A_316 = arith.muli %scan3A_314, %mul3A_315 : i32
      %add3A_317 = arith.constant 0 : i32
      %add3A_318 = arith.addi %add3A_317, %mul3A_316 : i32
      %scan3A_319 = arith.constant 0 : i32
      %scan3A_320 = arith.constant 32 : i32
      %scan3A_321 = arith.addi %scan3A_319, %scan3A_320 : i32
      %scan3A_322 = arith.constant 1 : i32
      scf.for %scan3A_324 = %scan3A_319 to %scan3A_321 step %scan3A_322  : i32 {
        %mul3A_325 = arith.constant 1 : i32
        %mul3A_326 = arith.muli %scan3A_324, %mul3A_325 : i32
        %add3A_327 = arith.constant 0 : i32
        %add3A_328 = arith.addi %add3A_327, %mul3A_326 : i32
        %mul3A_329 = arith.constant 16 : i32
        %mul3A_330 = arith.muli %add3A_328, %mul3A_329 : i32
        %get3A = arith.constant 0 : i32
        %get3A_331 = arith.index_cast %get3A : i32 to index
        %get3A_332 = arith.index_cast %mul3A_330 : i32 to index
        %get3A_333 = tpu.vector_load %arg7[%get3A_331, %get3A_332] {strides = array<i32>} : memref<1x512xf32, #tpu.memory_space<vmem>>, vector<1x16xf32>,
        %get3A_334 = vector.shape_cast %get3A_333 : vector<1x16xf32> to vector<16xf32>
        %mul3A_335 = arith.constant 16 : i32
        %mul3A_336 = arith.muli %add3A_328, %mul3A_335 : i32
        %swap3A = arith.index_cast %add3A_318 : i32 to index
        %swap3A_337 = arith.index_cast %mul3A_336 : i32 to index
        %swap3A_338 = tpu.vector_load %arg8[%swap3A, %swap3A_337] {strides = array<i32>} : memref<64x512xf32, #tpu.memory_space<vmem>>, vector<1x16xf32>,
        %swap3A_339 = vector.shape_cast %swap3A_338 : vector<1x16xf32> to vector<16xf32>
        %swap3A_340 = vector.shape_cast %get3A_334 : vector<16xf32> to vector<1x16xf32>
        tpu.vector_store %arg8[%swap3A, %swap3A_337], %swap3A_340 {strides = array<i32>} : memref<64x512xf32, #tpu.memory_space<vmem>>, vector<1x16xf32>,
      }
      %scan3A_323 = arith.constant 32 : i32
    }
    %scan3A_85 = arith.constant 64 : i32
    %jit3A_86 = arith.constant 4 : i32
    %div3A_87 = arith.divsi %add3A, %jit3A_86 : i32
    %sign3A_88 = arith.constant 0 : i32
    %sign3A_89 = arith.cmpi sgt, %add3A, %sign3A_88 : i32
    %sign3A_90 = arith.extui %sign3A_89 : i1 to i32
    %sign3A_91 = arith.constant 0 : i32
    %sign3A_92 = arith.cmpi slt, %add3A, %sign3A_91 : i32
    %sign3A_93 = arith.extui %sign3A_92 : i1 to i32
    %sign3A_94 = arith.subi %sign3A_90, %sign3A_93 : i32
    %sign3A_95 = arith.constant 0 : i32
    %sign3A_96 = arith.cmpi sgt, %jit3A_86, %sign3A_95 : i32
    %sign3A_97 = arith.extui %sign3A_96 : i1 to i32
    %sign3A_98 = arith.constant 0 : i32
    %sign3A_99 = arith.cmpi slt, %jit3A_86, %sign3A_98 : i32
    %sign3A_100 = arith.extui %sign3A_99 : i1 to i32
    %sign3A_101 = arith.subi %sign3A_97, %sign3A_100 : i32
    %ne3A_102 = arith.cmpi ne, %sign3A_94, %sign3A_101 : i32
    %rem3A_103 = arith.remsi %add3A, %jit3A_86 : i32
    %ne3A_104 = arith.constant 0 : i32
    %ne3A_105 = arith.cmpi ne, %rem3A_103, %ne3A_104 : i32
    %and3A_106 = arith.andi %ne3A_102, %ne3A_105 : i1
    %sub3A_107 = arith.constant 1 : i32
    %sub3A_108 = arith.subi %div3A_87, %sub3A_107 : i32
    %select_n3A_109 = arith.select %and3A_106, %sub3A_108, %div3A_87 : i32
    %jit3A_110 = arith.constant 4 : i32
    %eq3A_111 = arith.constant 0 : i32
    %eq3A_112 = arith.cmpi eq, %jit3A_110, %eq3A_111 : i32
    %jit3A_113 = arith.constant 1 : i32
    %select_n3A_114 = arith.select %eq3A_112, %jit3A_113, %jit3A_110 : i32
    %rem3A_115 = arith.remsi %add3A, %select_n3A_114 : i32
    %ne3A_116 = arith.constant 0 : i32
    %ne3A_117 = arith.cmpi ne, %rem3A_115, %ne3A_116 : i32
    %lt3A = arith.constant 0 : i32
    %lt3A_118 = arith.cmpi slt, %rem3A_115, %lt3A : i32
    %lt3A_119 = arith.constant 0 : i32
    %lt3A_120 = arith.cmpi slt, %select_n3A_114, %lt3A_119 : i32
    %ne3A_121 = arith.xori %lt3A_118, %lt3A_120 : i1
    %and3A_122 = arith.andi %ne3A_121, %ne3A_117 : i1
    %add3A_123 = arith.addi %rem3A_115, %select_n3A_114 : i32
    %select_n3A_124 = arith.select %and3A_122, %add3A_123, %rem3A_115 : i32
    %add3A_125 = arith.constant 1 : i32
    %add3A_126 = arith.addi %add3A_125, %select_n3A_124 : i32
    %dma_start3A_127 = arith.constant 0 : i32
    %dma_start3A_128 = arith.constant 0 : i32
    %dma_start3A_129 = tpu.memref_slice %arg5[%select_n3A_109, %add3A_126, %dma_start3A_127, %dma_start3A_128] : memref<8x77x64x512xf32, #tpu.memory_space<hbm>> -> memref<1x1x64x512xf32, #tpu.memory_space<hbm>>
    %dma_start3A_130 = tpu.memref_squeeze %dma_start3A_129 : memref<1x1x64x512xf32, #tpu.memory_space<hbm>> -> memref<64x512xf32, #tpu.memory_space<hbm>>
    %dma_start3A_131 = arith.constant 0 : i32
    %dma_start3A_132 = arith.constant 0 : i32
    %dma_start3A_133 = tpu.memref_slice %arg5[%select_n3A_109, %add3A_126, %dma_start3A_131, %dma_start3A_132] : memref<8x77x64x512xf32, #tpu.memory_space<hbm>> -> memref<1x1x64x512xf32, #tpu.memory_space<hbm>>
    %dma_start3A_134 = tpu.memref_squeeze %dma_start3A_133 : memref<1x1x64x512xf32, #tpu.memory_space<hbm>> -> memref<64x512xf32, #tpu.memory_space<hbm>>
    tpu.enqueue_dma source(%arg8 : memref<64x512xf32, #tpu.memory_space<vmem>>) target(%dma_start3A_134 : memref<64x512xf32, #tpu.memory_space<hbm>>) target_semaphore(%arg11 : memref<!tpu.dma_semaphore, #tpu.memory_space<semaphore_mem>>)
    %dma_wait3A = arith.constant 0 : i32
    %dma_wait3A_135 = arith.constant 0 : i32
    %dma_wait3A_136 = tpu.memref_slice %arg6[%dma_wait3A, %dma_wait3A_135] : memref<1x64xi32, #tpu.memory_space<vmem>> -> memref<1x64xi32, #tpu.memory_space<vmem>>
    %dma_wait3A_137 = tpu.memref_squeeze %dma_wait3A_136 : memref<1x64xi32, #tpu.memory_space<vmem>> -> memref<64xi32, #tpu.memory_space<vmem>>
    %dma_wait3A_138 = arith.constant 0 : i32
    %dma_wait3A_139 = arith.constant 0 : i32
    %dma_wait3A_140 = tpu.memref_slice %arg2[%dma_wait3A_138, %dma_wait3A_139] : memref<49408x512xf32, #tpu.memory_space<hbm>> -> memref<49408x512xf32, #tpu.memory_space<hbm>>
    tpu.wait_indirect_dma semaphore(%arg10 : memref<!tpu.dma_semaphore, #tpu.memory_space<semaphore_mem>>) src(%dma_wait3A_140 : memref<49408x512xf32, #tpu.memory_space<hbm>>) dst(%arg9 : memref<64x512xf32, #tpu.memory_space<vmem>>)
    %add3A_141 = arith.constant 1 : i32
    %add3A_142 = arith.addi %select_n3A_70, %add3A_141 : i32
    %mul3A_143 = arith.constant 8 : i32
    %mul3A_144 = arith.muli %add3A_142, %mul3A_143 : i32
    %min3A = arith.minsi %select_n3A_46, %mul3A_144 : i32
    %mul3A_145 = arith.constant 8 : i32
    %mul3A_146 = arith.muli %select_n3A_70, %mul3A_145 : i32
    %sub3A_147 = arith.subi %select_n3A, %mul3A_146 : i32
    %mul3A_148 = arith.constant 8 : i32
    %mul3A_149 = arith.muli %select_n3A_70, %mul3A_148 : i32
    %sub3A_150 = arith.subi %min3A, %mul3A_149 : i32
    %sub3A_151 = arith.subi %sub3A_150, %sub3A_147 : i32
    %sub3A_152 = arith.constant 1 : i32
    %sub3A_153 = arith.constant 1 : i32
    %sub3A_154 = arith.subi %sub3A_152, %sub3A_153 : i32
    %add3A_155 = arith.addi %sub3A_151, %sub3A_154 : i32
    %div3A_156 = arith.constant 1 : i32
    %div3A_157 = arith.divsi %add3A_155, %div3A_156 : i32
    %while3A = arith.constant 1 : i32
    %while3A_158 = arith.constant 0 : i32
    %while3A_159 = arith.subi %div3A_157, %while3A_158 : i32
    %while3A_160 = arith.addi %while3A_158, %while3A_159 : i32
    %while3A_161 = arith.constant 1 : i32
    %while3A_162 = arith.divsi %while3A_159, %while3A_161 : i32
    %while3A_163 = arith.muli %while3A_162, %while3A_161 : i32
    %while3A_164 = arith.addi %while3A_158, %while3A_163 : i32
    %while3A_165 = arith.constant 1 : i32
    scf.for %while3A_314 = %while3A_158 to %while3A_164 step %while3A_165  : i32 {
      %mul3A_315 = arith.muli %while3A_314, %while3A : i32
      %add3A_316 = arith.addi %sub3A_147, %mul3A_315 : i32
      %dma_start3A_317 = arith.constant 0 : i32
      %dma_start3A_318 = arith.constant 0 : i32
      %dma_start3A_319 = tpu.memref_slice %arg5[%add3A_316, %select_n3A_75, %dma_start3A_317, %dma_start3A_318] : memref<8x77x64x512xf32, #tpu.memory_space<hbm>> -> memref<1x1x64x512xf32, #tpu.memory_space<hbm>>
      %dma_start3A_320 = tpu.memref_squeeze %dma_start3A_319 : memref<1x1x64x512xf32, #tpu.memory_space<hbm>> -> memref<64x512xf32, #tpu.memory_space<hbm>>
      %dma_start3A_321 = arith.constant 0 : i32
      %dma_start3A_322 = arith.constant 0 : i32
      %dma_start3A_323 = tpu.memref_slice %arg5[%add3A_316, %select_n3A_75, %dma_start3A_321, %dma_start3A_322] : memref<8x77x64x512xf32, #tpu.memory_space<hbm>> -> memref<1x1x64x512xf32, #tpu.memory_space<hbm>>
      %dma_start3A_324 = tpu.memref_squeeze %dma_start3A_323 : memref<1x1x64x512xf32, #tpu.memory_space<hbm>> -> memref<64x512xf32, #tpu.memory_space<hbm>>
      tpu.enqueue_dma source(%arg9 : memref<64x512xf32, #tpu.memory_space<vmem>>) target(%dma_start3A_324 : memref<64x512xf32, #tpu.memory_space<hbm>>) target_semaphore(%arg12 : memref<!tpu.dma_semaphore, #tpu.memory_space<semaphore_mem>>)
    }
    %while3A_166 = arith.constant 1 : i32
    scf.for %while3A_314 = %while3A_164 to %while3A_160 step %while3A_166  : i32 {
      %mul3A_315 = arith.muli %while3A_314, %while3A : i32
      %add3A_316 = arith.addi %sub3A_147, %mul3A_315 : i32
      %dma_start3A_317 = arith.constant 0 : i32
      %dma_start3A_318 = arith.constant 0 : i32
      %dma_start3A_319 = tpu.memref_slice %arg5[%add3A_316, %select_n3A_75, %dma_start3A_317, %dma_start3A_318] : memref<8x77x64x512xf32, #tpu.memory_space<hbm>> -> memref<1x1x64x512xf32, #tpu.memory_space<hbm>>
      %dma_start3A_320 = tpu.memref_squeeze %dma_start3A_319 : memref<1x1x64x512xf32, #tpu.memory_space<hbm>> -> memref<64x512xf32, #tpu.memory_space<hbm>>
      %dma_start3A_321 = arith.constant 0 : i32
      %dma_start3A_322 = arith.constant 0 : i32
      %dma_start3A_323 = tpu.memref_slice %arg5[%add3A_316, %select_n3A_75, %dma_start3A_321, %dma_start3A_322] : memref<8x77x64x512xf32, #tpu.memory_space<hbm>> -> memref<1x1x64x512xf32, #tpu.memory_space<hbm>>
      %dma_start3A_324 = tpu.memref_squeeze %dma_start3A_323 : memref<1x1x64x512xf32, #tpu.memory_space<hbm>> -> memref<64x512xf32, #tpu.memory_space<hbm>>
      tpu.enqueue_dma source(%arg9 : memref<64x512xf32, #tpu.memory_space<vmem>>) target(%dma_start3A_324 : memref<64x512xf32, #tpu.memory_space<hbm>>) target_semaphore(%arg12 : memref<!tpu.dma_semaphore, #tpu.memory_space<semaphore_mem>>)
    }
    %sub3A_167 = arith.subi %min3A, %select_n3A : i32
    %add3A_168 = arith.constant 1 : i32
    %add3A_169 = arith.addi %select_n3A_70, %add3A_168 : i32
    %mul3A_170 = arith.constant 8 : i32
    %mul3A_171 = arith.muli %add3A_169, %mul3A_170 : i32
    %max3A = arith.maxsi %select_n3A, %mul3A_171 : i32
    %add3A_172 = arith.constant 1 : i32
    %add3A_173 = arith.addi %add3A_169, %add3A_172 : i32
    %mul3A_174 = arith.constant 8 : i32
    %mul3A_175 = arith.muli %add3A_173, %mul3A_174 : i32
    %min3A_176 = arith.minsi %select_n3A_46, %mul3A_175 : i32
    %sub3A_177 = arith.subi %min3A_176, %max3A : i32
    %max3A_178 = arith.constant 0 : i32
    %max3A_179 = arith.maxsi %sub3A_177, %max3A_178 : i32
    %sub3A_180 = arith.constant 1 : i32
    %sub3A_181 = arith.constant 0 : i32
    %sub3A_182 = arith.subi %sub3A_180, %sub3A_181 : i32
    %sub3A_183 = arith.constant 1 : i32
    %sub3A_184 = arith.constant 1 : i32
    %sub3A_185 = arith.subi %sub3A_183, %sub3A_184 : i32
    %add3A_186 = arith.addi %sub3A_182, %sub3A_185 : i32
    %div3A_187 = arith.constant 1 : i32
    %div3A_188 = arith.divsi %add3A_186, %div3A_187 : i32
    %while3A_189 = arith.constant 1 : i32
    %while3A_190 = arith.constant 0 : i32
    %while3A_191 = arith.constant 0 : i32
    %while3A_192 = arith.subi %div3A_188, %while3A_191 : i32
    %while3A_193 = arith.addi %while3A_191, %while3A_192 : i32
    %while3A_194 = arith.constant 1 : i32
    %while3A_195 = arith.divsi %while3A_192, %while3A_194 : i32
    %while3A_196 = arith.muli %while3A_195, %while3A_194 : i32
    %while3A_197 = arith.addi %while3A_191, %while3A_196 : i32
    %while3A_198 = arith.constant 1 : i32
    scf.for %while3A_314 = %while3A_191 to %while3A_197 step %while3A_198  : i32 {
      %mul3A_315 = arith.muli %while3A_314, %while3A_189 : i32
      %add3A_316 = arith.addi %while3A_190, %mul3A_315 : i32
      %dma_wait3A_317 = arith.constant 0 : i32
      %dma_wait3A_318 = arith.constant 0 : i32
      %dma_wait3A_319 = arith.constant 0 : i32
      %dma_wait3A_320 = arith.constant 0 : i32
      %dma_wait3A_321 = tpu.memref_slice %arg5[%dma_wait3A_317, %dma_wait3A_318, %dma_wait3A_319, %dma_wait3A_320] : memref<8x77x64x512xf32, #tpu.memory_space<hbm>> -> memref<1x1x64x512xf32, #tpu.memory_space<hbm>>
      %dma_wait3A_322 = tpu.memref_squeeze %dma_wait3A_321 : memref<1x1x64x512xf32, #tpu.memory_space<hbm>> -> memref<64x512xf32, #tpu.memory_space<hbm>>
      %dma_wait3A_323 = arith.constant 0 : i32
      %dma_wait3A_324 = arith.constant 0 : i32
      %dma_wait3A_325 = tpu.memref_slice %arg5[%dma_wait3A_317, %dma_wait3A_318, %dma_wait3A_323, %dma_wait3A_324] : memref<8x77x64x512xf32, #tpu.memory_space<hbm>> -> memref<1x1x64x512xf32, #tpu.memory_space<hbm>>
      %dma_wait3A_326 = tpu.memref_squeeze %dma_wait3A_325 : memref<1x1x64x512xf32, #tpu.memory_space<hbm>> -> memref<64x512xf32, #tpu.memory_space<hbm>>
      tpu.wait_dma2 semaphore(%arg11 : memref<!tpu.dma_semaphore, #tpu.memory_space<semaphore_mem>>) src(%arg8 : memref<64x512xf32, #tpu.memory_space<vmem>>) dst(%dma_wait3A_326 : memref<64x512xf32, #tpu.memory_space<hbm>>)
    }
    %while3A_199 = arith.constant 1 : i32
    scf.for %while3A_314 = %while3A_197 to %while3A_193 step %while3A_199  : i32 {
      %mul3A_315 = arith.muli %while3A_314, %while3A_189 : i32
      %add3A_316 = arith.addi %while3A_190, %mul3A_315 : i32
      %dma_wait3A_317 = arith.constant 0 : i32
      %dma_wait3A_318 = arith.constant 0 : i32
      %dma_wait3A_319 = arith.constant 0 : i32
      %dma_wait3A_320 = arith.constant 0 : i32
      %dma_wait3A_321 = tpu.memref_slice %arg5[%dma_wait3A_317, %dma_wait3A_318, %dma_wait3A_319, %dma_wait3A_320] : memref<8x77x64x512xf32, #tpu.memory_space<hbm>> -> memref<1x1x64x512xf32, #tpu.memory_space<hbm>>
      %dma_wait3A_322 = tpu.memref_squeeze %dma_wait3A_321 : memref<1x1x64x512xf32, #tpu.memory_space<hbm>> -> memref<64x512xf32, #tpu.memory_space<hbm>>
      %dma_wait3A_323 = arith.constant 0 : i32
      %dma_wait3A_324 = arith.constant 0 : i32
      %dma_wait3A_325 = tpu.memref_slice %arg5[%dma_wait3A_317, %dma_wait3A_318, %dma_wait3A_323, %dma_wait3A_324] : memref<8x77x64x512xf32, #tpu.memory_space<hbm>> -> memref<1x1x64x512xf32, #tpu.memory_space<hbm>>
      %dma_wait3A_326 = tpu.memref_squeeze %dma_wait3A_325 : memref<1x1x64x512xf32, #tpu.memory_space<hbm>> -> memref<64x512xf32, #tpu.memory_space<hbm>>
      tpu.wait_dma2 semaphore(%arg11 : memref<!tpu.dma_semaphore, #tpu.memory_space<semaphore_mem>>) src(%arg8 : memref<64x512xf32, #tpu.memory_space<vmem>>) dst(%dma_wait3A_326 : memref<64x512xf32, #tpu.memory_space<hbm>>)
    }
    %gt3A = arith.constant 0 : i32
    %gt3A_200 = arith.cmpi sgt, %max3A_179, %gt3A : i32
    %convert_element_type3A = arith.extui %gt3A_200 : i1 to i32
    %cond3A = arith.constant 0 : i32
    %cond3A_201 = arith.cmpi ne, %convert_element_type3A, %cond3A : i32
    scf.if %cond3A_201 {
      %eq3A_314 = arith.constant 0 : i32
      %eq3A_315 = arith.cmpi eq, %add3A_169, %eq3A_314 : i32
      %add3A_316 = arith.constant 4 : i32
      %add3A_317 = arith.addi %add3A_169, %add3A_316 : i32
      %jit3A_318 = arith.constant 0 : i32
      %select_n3A_319 = arith.select %eq3A_315, %jit3A_318, %add3A_317 : i32
      "tpu.region"() ({
        %run_scoped3A = tpu.sem_alloc : memref<!tpu.dma_semaphore, #tpu.memory_space<semaphore_mem>>
        %dma_start3A_357 = arith.constant 0 : i32
        %dma_start3A_358 = arith.constant 0 : i32
        %dma_start3A_359 = tpu.memref_slice %arg3[%select_n3A_319, %dma_start3A_357, %dma_start3A_358] : memref<77x1x64xi32, #tpu.memory_space<hbm>> -> memref<1x1x64xi32, #tpu.memory_space<hbm>>
        %dma_start3A_360 = tpu.memref_squeeze %dma_start3A_359 : memref<1x1x64xi32, #tpu.memory_space<hbm>> -> memref<1x64xi32, #tpu.memory_space<hbm>>
        %dma_start3A_361 = arith.constant 0 : i32
        %dma_start3A_362 = arith.constant 0 : i32
        %dma_start3A_363 = tpu.memref_slice %arg3[%select_n3A_319, %dma_start3A_361, %dma_start3A_362] : memref<77x1x64xi32, #tpu.memory_space<hbm>> -> memref<1x1x64xi32, #tpu.memory_space<hbm>>
        %dma_start3A_364 = tpu.memref_squeeze %dma_start3A_363 : memref<1x1x64xi32, #tpu.memory_space<hbm>> -> memref<1x64xi32, #tpu.memory_space<hbm>>
        tpu.enqueue_dma source(%dma_start3A_364 : memref<1x64xi32, #tpu.memory_space<hbm>>) target(%arg6 : memref<1x64xi32, #tpu.memory_space<vmem>>) target_semaphore(%run_scoped3A : memref<!tpu.dma_semaphore, #tpu.memory_space<semaphore_mem>>)
        %dma_wait3A_365 = arith.constant 0 : i32
        %dma_wait3A_366 = arith.constant 0 : i32
        %dma_wait3A_367 = tpu.memref_slice %arg3[%select_n3A_319, %dma_wait3A_365, %dma_wait3A_366] : memref<77x1x64xi32, #tpu.memory_space<hbm>> -> memref<1x1x64xi32, #tpu.memory_space<hbm>>
        %dma_wait3A_368 = tpu.memref_squeeze %dma_wait3A_367 : memref<1x1x64xi32, #tpu.memory_space<hbm>> -> memref<1x64xi32, #tpu.memory_space<hbm>>
        %dma_wait3A_369 = arith.constant 0 : i32
        %dma_wait3A_370 = arith.constant 0 : i32
        %dma_wait3A_371 = tpu.memref_slice %arg3[%select_n3A_319, %dma_wait3A_369, %dma_wait3A_370] : memref<77x1x64xi32, #tpu.memory_space<hbm>> -> memref<1x1x64xi32, #tpu.memory_space<hbm>>
        %dma_wait3A_372 = tpu.memref_squeeze %dma_wait3A_371 : memref<1x1x64xi32, #tpu.memory_space<hbm>> -> memref<1x64xi32, #tpu.memory_space<hbm>>
        tpu.wait_dma2 semaphore(%run_scoped3A : memref<!tpu.dma_semaphore, #tpu.memory_space<semaphore_mem>>) src(%dma_wait3A_372 : memref<1x64xi32, #tpu.memory_space<hbm>>) dst(%arg6 : memref<1x64xi32, #tpu.memory_space<vmem>>)
        tpu.yield
      }) : () -> ()
      %dma_start3A_320 = arith.constant 0 : i32
      %dma_start3A_321 = arith.constant 0 : i32
      %dma_start3A_322 = tpu.memref_slice %arg6[%dma_start3A_320, %dma_start3A_321] : memref<1x64xi32, #tpu.memory_space<vmem>> -> memref<1x64xi32, #tpu.memory_space<vmem>>
      %dma_start3A_323 = tpu.memref_squeeze %dma_start3A_322 : memref<1x64xi32, #tpu.memory_space<vmem>> -> memref<64xi32, #tpu.memory_space<vmem>>
      %dma_start3A_324 = arith.constant 0 : i32
      %dma_start3A_325 = arith.constant 0 : i32
      %dma_start3A_326 = tpu.memref_slice %arg2[%dma_start3A_324, %dma_start3A_325] : memref<49408x512xf32, #tpu.memory_space<hbm>> -> memref<49408x512xf32, #tpu.memory_space<hbm>>
      tpu.enqueue_indirect_dma source(%dma_start3A_326 : memref<49408x512xf32, #tpu.memory_space<hbm>>) target(%arg8 : memref<64x512xf32, #tpu.memory_space<vmem>>) offsets(%dma_start3A_323 : memref<64xi32, #tpu.memory_space<vmem>>) semaphore(%arg10 : memref<!tpu.dma_semaphore, #tpu.memory_space<semaphore_mem>>)
      %dma_wait3A_327 = arith.constant 0 : i32
      %dma_wait3A_328 = arith.constant 0 : i32
      %dma_wait3A_329 = tpu.memref_slice %arg6[%dma_wait3A_327, %dma_wait3A_328] : memref<1x64xi32, #tpu.memory_space<vmem>> -> memref<1x64xi32, #tpu.memory_space<vmem>>
      %dma_wait3A_330 = tpu.memref_squeeze %dma_wait3A_329 : memref<1x64xi32, #tpu.memory_space<vmem>> -> memref<64xi32, #tpu.memory_space<vmem>>
      %dma_wait3A_331 = arith.constant 0 : i32
      %dma_wait3A_332 = arith.constant 0 : i32
      %dma_wait3A_333 = tpu.memref_slice %arg2[%dma_wait3A_331, %dma_wait3A_332] : memref<49408x512xf32, #tpu.memory_space<hbm>> -> memref<49408x512xf32, #tpu.memory_space<hbm>>
      tpu.wait_indirect_dma semaphore(%arg10 : memref<!tpu.dma_semaphore, #tpu.memory_space<semaphore_mem>>) src(%dma_wait3A_333 : memref<49408x512xf32, #tpu.memory_space<hbm>>) dst(%arg8 : memref<64x512xf32, #tpu.memory_space<vmem>>)
      %mul3A_334 = arith.constant 8 : i32
      %mul3A_335 = arith.muli %add3A_169, %mul3A_334 : i32
      %sub3A_336 = arith.subi %max3A, %mul3A_335 : i32
      %mul3A_337 = arith.constant 8 : i32
      %mul3A_338 = arith.muli %add3A_169, %mul3A_337 : i32
      %sub3A_339 = arith.subi %min3A_176, %mul3A_338 : i32
      %sub3A_340 = arith.subi %sub3A_339, %sub3A_336 : i32
      %sub3A_341 = arith.constant 1 : i32
      %sub3A_342 = arith.constant 1 : i32
      %sub3A_343 = arith.subi %sub3A_341, %sub3A_342 : i32
      %add3A_344 = arith.addi %sub3A_340, %sub3A_343 : i32
      %div3A_345 = arith.constant 1 : i32
      %div3A_346 = arith.divsi %add3A_344, %div3A_345 : i32
      %while3A_347 = arith.constant 1 : i32
      %while3A_348 = arith.constant 0 : i32
      %while3A_349 = arith.subi %div3A_346, %while3A_348 : i32
      %while3A_350 = arith.addi %while3A_348, %while3A_349 : i32
      %while3A_351 = arith.constant 1 : i32
      %while3A_352 = arith.divsi %while3A_349, %while3A_351 : i32
      %while3A_353 = arith.muli %while3A_352, %while3A_351 : i32
      %while3A_354 = arith.addi %while3A_348, %while3A_353 : i32
      %while3A_355 = arith.constant 1 : i32
      scf.for %while3A_357 = %while3A_348 to %while3A_354 step %while3A_355  : i32 {
        %mul3A_358 = arith.muli %while3A_357, %while3A_347 : i32
        %add3A_359 = arith.addi %sub3A_336, %mul3A_358 : i32
        %dma_start3A_360 = arith.constant 0 : i32
        %dma_start3A_361 = arith.constant 0 : i32
        %dma_start3A_362 = tpu.memref_slice %arg5[%add3A_359, %select_n3A_319, %dma_start3A_360, %dma_start3A_361] : memref<8x77x64x512xf32, #tpu.memory_space<hbm>> -> memref<1x1x64x512xf32, #tpu.memory_space<hbm>>
        %dma_start3A_363 = tpu.memref_squeeze %dma_start3A_362 : memref<1x1x64x512xf32, #tpu.memory_space<hbm>> -> memref<64x512xf32, #tpu.memory_space<hbm>>
        %dma_start3A_364 = arith.constant 0 : i32
        %dma_start3A_365 = arith.constant 0 : i32
        %dma_start3A_366 = tpu.memref_slice %arg5[%add3A_359, %select_n3A_319, %dma_start3A_364, %dma_start3A_365] : memref<8x77x64x512xf32, #tpu.memory_space<hbm>> -> memref<1x1x64x512xf32, #tpu.memory_space<hbm>>
        %dma_start3A_367 = tpu.memref_squeeze %dma_start3A_366 : memref<1x1x64x512xf32, #tpu.memory_space<hbm>> -> memref<64x512xf32, #tpu.memory_space<hbm>>
        tpu.enqueue_dma source(%arg8 : memref<64x512xf32, #tpu.memory_space<vmem>>) target(%dma_start3A_367 : memref<64x512xf32, #tpu.memory_space<hbm>>) target_semaphore(%arg11 : memref<!tpu.dma_semaphore, #tpu.memory_space<semaphore_mem>>)
      }
      %while3A_356 = arith.constant 1 : i32
      scf.for %while3A_357 = %while3A_354 to %while3A_350 step %while3A_356  : i32 {
        %mul3A_358 = arith.muli %while3A_357, %while3A_347 : i32
        %add3A_359 = arith.addi %sub3A_336, %mul3A_358 : i32
        %dma_start3A_360 = arith.constant 0 : i32
        %dma_start3A_361 = arith.constant 0 : i32
        %dma_start3A_362 = tpu.memref_slice %arg5[%add3A_359, %select_n3A_319, %dma_start3A_360, %dma_start3A_361] : memref<8x77x64x512xf32, #tpu.memory_space<hbm>> -> memref<1x1x64x512xf32, #tpu.memory_space<hbm>>
        %dma_start3A_363 = tpu.memref_squeeze %dma_start3A_362 : memref<1x1x64x512xf32, #tpu.memory_space<hbm>> -> memref<64x512xf32, #tpu.memory_space<hbm>>
        %dma_start3A_364 = arith.constant 0 : i32
        %dma_start3A_365 = arith.constant 0 : i32
        %dma_start3A_366 = tpu.memref_slice %arg5[%add3A_359, %select_n3A_319, %dma_start3A_364, %dma_start3A_365] : memref<8x77x64x512xf32, #tpu.memory_space<hbm>> -> memref<1x1x64x512xf32, #tpu.memory_space<hbm>>
        %dma_start3A_367 = tpu.memref_squeeze %dma_start3A_366 : memref<1x1x64x512xf32, #tpu.memory_space<hbm>> -> memref<64x512xf32, #tpu.memory_space<hbm>>
        tpu.enqueue_dma source(%arg8 : memref<64x512xf32, #tpu.memory_space<vmem>>) target(%dma_start3A_367 : memref<64x512xf32, #tpu.memory_space<hbm>>) target_semaphore(%arg11 : memref<!tpu.dma_semaphore, #tpu.memory_space<semaphore_mem>>)
      }
    } else {
    }
    %add3A_202 = arith.constant 2 : i32
    %add3A_203 = arith.addi %select_n3A_70, %add3A_202 : i32
    %mul3A_204 = arith.constant 8 : i32
    %mul3A_205 = arith.muli %add3A_203, %mul3A_204 : i32
    %max3A_206 = arith.maxsi %select_n3A, %mul3A_205 : i32
    %add3A_207 = arith.constant 1 : i32
    %add3A_208 = arith.addi %add3A_203, %add3A_207 : i32
    %mul3A_209 = arith.constant 8 : i32
    %mul3A_210 = arith.muli %add3A_208, %mul3A_209 : i32
    %min3A_211 = arith.minsi %select_n3A_46, %mul3A_210 : i32
    %sub3A_212 = arith.subi %min3A_211, %max3A_206 : i32
    %max3A_213 = arith.constant 0 : i32
    %max3A_214 = arith.maxsi %sub3A_212, %max3A_213 : i32
    %sub3A_215 = arith.constant 0 : i32
    %sub3A_216 = arith.subi %sub3A_167, %sub3A_215 : i32
    %sub3A_217 = arith.constant 1 : i32
    %sub3A_218 = arith.constant 1 : i32
    %sub3A_219 = arith.subi %sub3A_217, %sub3A_218 : i32
    %add3A_220 = arith.addi %sub3A_216, %sub3A_219 : i32
    %div3A_221 = arith.constant 1 : i32
    %div3A_222 = arith.divsi %add3A_220, %div3A_221 : i32
    %while3A_223 = arith.constant 1 : i32
    %while3A_224 = arith.constant 0 : i32
    %while3A_225 = arith.constant 0 : i32
    %while3A_226 = arith.subi %div3A_222, %while3A_225 : i32
    %while3A_227 = arith.addi %while3A_225, %while3A_226 : i32
    %while3A_228 = arith.constant 1 : i32
    %while3A_229 = arith.divsi %while3A_226, %while3A_228 : i32
    %while3A_230 = arith.muli %while3A_229, %while3A_228 : i32
    %while3A_231 = arith.addi %while3A_225, %while3A_230 : i32
    %while3A_232 = arith.constant 1 : i32
    scf.for %while3A_314 = %while3A_225 to %while3A_231 step %while3A_232  : i32 {
      %mul3A_315 = arith.muli %while3A_314, %while3A_223 : i32
      %add3A_316 = arith.addi %while3A_224, %mul3A_315 : i32
      %dma_wait3A_317 = arith.constant 0 : i32
      %dma_wait3A_318 = arith.constant 0 : i32
      %dma_wait3A_319 = arith.constant 0 : i32
      %dma_wait3A_320 = arith.constant 0 : i32
      %dma_wait3A_321 = tpu.memref_slice %arg5[%dma_wait3A_317, %dma_wait3A_318, %dma_wait3A_319, %dma_wait3A_320] : memref<8x77x64x512xf32, #tpu.memory_space<hbm>> -> memref<1x1x64x512xf32, #tpu.memory_space<hbm>>
      %dma_wait3A_322 = tpu.memref_squeeze %dma_wait3A_321 : memref<1x1x64x512xf32, #tpu.memory_space<hbm>> -> memref<64x512xf32, #tpu.memory_space<hbm>>
      %dma_wait3A_323 = arith.constant 0 : i32
      %dma_wait3A_324 = arith.constant 0 : i32
      %dma_wait3A_325 = tpu.memref_slice %arg5[%dma_wait3A_317, %dma_wait3A_318, %dma_wait3A_323, %dma_wait3A_324] : memref<8x77x64x512xf32, #tpu.memory_space<hbm>> -> memref<1x1x64x512xf32, #tpu.memory_space<hbm>>
      %dma_wait3A_326 = tpu.memref_squeeze %dma_wait3A_325 : memref<1x1x64x512xf32, #tpu.memory_space<hbm>> -> memref<64x512xf32, #tpu.memory_space<hbm>>
      tpu.wait_dma2 semaphore(%arg12 : memref<!tpu.dma_semaphore, #tpu.memory_space<semaphore_mem>>) src(%arg9 : memref<64x512xf32, #tpu.memory_space<vmem>>) dst(%dma_wait3A_326 : memref<64x512xf32, #tpu.memory_space<hbm>>)
    }
    %while3A_233 = arith.constant 1 : i32
    scf.for %while3A_314 = %while3A_231 to %while3A_227 step %while3A_233  : i32 {
      %mul3A_315 = arith.muli %while3A_314, %while3A_223 : i32
      %add3A_316 = arith.addi %while3A_224, %mul3A_315 : i32
      %dma_wait3A_317 = arith.constant 0 : i32
      %dma_wait3A_318 = arith.constant 0 : i32
      %dma_wait3A_319 = arith.constant 0 : i32
      %dma_wait3A_320 = arith.constant 0 : i32
      %dma_wait3A_321 = tpu.memref_slice %arg5[%dma_wait3A_317, %dma_wait3A_318, %dma_wait3A_319, %dma_wait3A_320] : memref<8x77x64x512xf32, #tpu.memory_space<hbm>> -> memref<1x1x64x512xf32, #tpu.memory_space<hbm>>
      %dma_wait3A_322 = tpu.memref_squeeze %dma_wait3A_321 : memref<1x1x64x512xf32, #tpu.memory_space<hbm>> -> memref<64x512xf32, #tpu.memory_space<hbm>>
      %dma_wait3A_323 = arith.constant 0 : i32
      %dma_wait3A_324 = arith.constant 0 : i32
      %dma_wait3A_325 = tpu.memref_slice %arg5[%dma_wait3A_317, %dma_wait3A_318, %dma_wait3A_323, %dma_wait3A_324] : memref<8x77x64x512xf32, #tpu.memory_space<hbm>> -> memref<1x1x64x512xf32, #tpu.memory_space<hbm>>
      %dma_wait3A_326 = tpu.memref_squeeze %dma_wait3A_325 : memref<1x1x64x512xf32, #tpu.memory_space<hbm>> -> memref<64x512xf32, #tpu.memory_space<hbm>>
      tpu.wait_dma2 semaphore(%arg12 : memref<!tpu.dma_semaphore, #tpu.memory_space<semaphore_mem>>) src(%arg9 : memref<64x512xf32, #tpu.memory_space<vmem>>) dst(%dma_wait3A_326 : memref<64x512xf32, #tpu.memory_space<hbm>>)
    }
    %gt3A_234 = arith.constant 0 : i32
    %gt3A_235 = arith.cmpi sgt, %max3A_214, %gt3A_234 : i32
    %convert_element_type3A_236 = arith.extui %gt3A_235 : i1 to i32
    %cond3A_237 = arith.constant 0 : i32
    %cond3A_238 = arith.cmpi ne, %convert_element_type3A_236, %cond3A_237 : i32
    scf.if %cond3A_238 {
      %eq3A_314 = arith.constant 0 : i32
      %eq3A_315 = arith.cmpi eq, %add3A_203, %eq3A_314 : i32
      %add3A_316 = arith.constant 4 : i32
      %add3A_317 = arith.addi %add3A_203, %add3A_316 : i32
      %jit3A_318 = arith.constant 0 : i32
      %select_n3A_319 = arith.select %eq3A_315, %jit3A_318, %add3A_317 : i32
      "tpu.region"() ({
        %run_scoped3A = tpu.sem_alloc : memref<!tpu.dma_semaphore, #tpu.memory_space<semaphore_mem>>
        %dma_start3A_357 = arith.constant 0 : i32
        %dma_start3A_358 = arith.constant 0 : i32
        %dma_start3A_359 = tpu.memref_slice %arg3[%select_n3A_319, %dma_start3A_357, %dma_start3A_358] : memref<77x1x64xi32, #tpu.memory_space<hbm>> -> memref<1x1x64xi32, #tpu.memory_space<hbm>>
        %dma_start3A_360 = tpu.memref_squeeze %dma_start3A_359 : memref<1x1x64xi32, #tpu.memory_space<hbm>> -> memref<1x64xi32, #tpu.memory_space<hbm>>
        %dma_start3A_361 = arith.constant 0 : i32
        %dma_start3A_362 = arith.constant 0 : i32
        %dma_start3A_363 = tpu.memref_slice %arg3[%select_n3A_319, %dma_start3A_361, %dma_start3A_362] : memref<77x1x64xi32, #tpu.memory_space<hbm>> -> memref<1x1x64xi32, #tpu.memory_space<hbm>>
        %dma_start3A_364 = tpu.memref_squeeze %dma_start3A_363 : memref<1x1x64xi32, #tpu.memory_space<hbm>> -> memref<1x64xi32, #tpu.memory_space<hbm>>
        tpu.enqueue_dma source(%dma_start3A_364 : memref<1x64xi32, #tpu.memory_space<hbm>>) target(%arg6 : memref<1x64xi32, #tpu.memory_space<vmem>>) target_semaphore(%run_scoped3A : memref<!tpu.dma_semaphore, #tpu.memory_space<semaphore_mem>>)
        %dma_wait3A_365 = arith.constant 0 : i32
        %dma_wait3A_366 = arith.constant 0 : i32
        %dma_wait3A_367 = tpu.memref_slice %arg3[%select_n3A_319, %dma_wait3A_365, %dma_wait3A_366] : memref<77x1x64xi32, #tpu.memory_space<hbm>> -> memref<1x1x64xi32, #tpu.memory_space<hbm>>
        %dma_wait3A_368 = tpu.memref_squeeze %dma_wait3A_367 : memref<1x1x64xi32, #tpu.memory_space<hbm>> -> memref<1x64xi32, #tpu.memory_space<hbm>>
        %dma_wait3A_369 = arith.constant 0 : i32
        %dma_wait3A_370 = arith.constant 0 : i32
        %dma_wait3A_371 = tpu.memref_slice %arg3[%select_n3A_319, %dma_wait3A_369, %dma_wait3A_370] : memref<77x1x64xi32, #tpu.memory_space<hbm>> -> memref<1x1x64xi32, #tpu.memory_space<hbm>>
        %dma_wait3A_372 = tpu.memref_squeeze %dma_wait3A_371 : memref<1x1x64xi32, #tpu.memory_space<hbm>> -> memref<1x64xi32, #tpu.memory_space<hbm>>
        tpu.wait_dma2 semaphore(%run_scoped3A : memref<!tpu.dma_semaphore, #tpu.memory_space<semaphore_mem>>) src(%dma_wait3A_372 : memref<1x64xi32, #tpu.memory_space<hbm>>) dst(%arg6 : memref<1x64xi32, #tpu.memory_space<vmem>>)
        tpu.yield
      }) : () -> ()
      %dma_start3A_320 = arith.constant 0 : i32
      %dma_start3A_321 = arith.constant 0 : i32
      %dma_start3A_322 = tpu.memref_slice %arg6[%dma_start3A_320, %dma_start3A_321] : memref<1x64xi32, #tpu.memory_space<vmem>> -> memref<1x64xi32, #tpu.memory_space<vmem>>
      %dma_start3A_323 = tpu.memref_squeeze %dma_start3A_322 : memref<1x64xi32, #tpu.memory_space<vmem>> -> memref<64xi32, #tpu.memory_space<vmem>>
      %dma_start3A_324 = arith.constant 0 : i32
      %dma_start3A_325 = arith.constant 0 : i32
      %dma_start3A_326 = tpu.memref_slice %arg2[%dma_start3A_324, %dma_start3A_325] : memref<49408x512xf32, #tpu.memory_space<hbm>> -> memref<49408x512xf32, #tpu.memory_space<hbm>>
      tpu.enqueue_indirect_dma source(%dma_start3A_326 : memref<49408x512xf32, #tpu.memory_space<hbm>>) target(%arg9 : memref<64x512xf32, #tpu.memory_space<vmem>>) offsets(%dma_start3A_323 : memref<64xi32, #tpu.memory_space<vmem>>) semaphore(%arg10 : memref<!tpu.dma_semaphore, #tpu.memory_space<semaphore_mem>>)
      %dma_wait3A_327 = arith.constant 0 : i32
      %dma_wait3A_328 = arith.constant 0 : i32
      %dma_wait3A_329 = tpu.memref_slice %arg6[%dma_wait3A_327, %dma_wait3A_328] : memref<1x64xi32, #tpu.memory_space<vmem>> -> memref<1x64xi32, #tpu.memory_space<vmem>>
      %dma_wait3A_330 = tpu.memref_squeeze %dma_wait3A_329 : memref<1x64xi32, #tpu.memory_space<vmem>> -> memref<64xi32, #tpu.memory_space<vmem>>
      %dma_wait3A_331 = arith.constant 0 : i32
      %dma_wait3A_332 = arith.constant 0 : i32
      %dma_wait3A_333 = tpu.memref_slice %arg2[%dma_wait3A_331, %dma_wait3A_332] : memref<49408x512xf32, #tpu.memory_space<hbm>> -> memref<49408x512xf32, #tpu.memory_space<hbm>>
      tpu.wait_indirect_dma semaphore(%arg10 : memref<!tpu.dma_semaphore, #tpu.memory_space<semaphore_mem>>) src(%dma_wait3A_333 : memref<49408x512xf32, #tpu.memory_space<hbm>>) dst(%arg9 : memref<64x512xf32, #tpu.memory_space<vmem>>)
      %mul3A_334 = arith.constant 8 : i32
      %mul3A_335 = arith.muli %add3A_203, %mul3A_334 : i32
      %sub3A_336 = arith.subi %max3A_206, %mul3A_335 : i32
      %mul3A_337 = arith.constant 8 : i32
      %mul3A_338 = arith.muli %add3A_203, %mul3A_337 : i32
      %sub3A_339 = arith.subi %min3A_211, %mul3A_338 : i32
      %sub3A_340 = arith.subi %sub3A_339, %sub3A_336 : i32
      %sub3A_341 = arith.constant 1 : i32
      %sub3A_342 = arith.constant 1 : i32
      %sub3A_343 = arith.subi %sub3A_341, %sub3A_342 : i32
      %add3A_344 = arith.addi %sub3A_340, %sub3A_343 : i32
      %div3A_345 = arith.constant 1 : i32
      %div3A_346 = arith.divsi %add3A_344, %div3A_345 : i32
      %while3A_347 = arith.constant 1 : i32
      %while3A_348 = arith.constant 0 : i32
      %while3A_349 = arith.subi %div3A_346, %while3A_348 : i32
      %while3A_350 = arith.addi %while3A_348, %while3A_349 : i32
      %while3A_351 = arith.constant 1 : i32
      %while3A_352 = arith.divsi %while3A_349, %while3A_351 : i32
      %while3A_353 = arith.muli %while3A_352, %while3A_351 : i32
      %while3A_354 = arith.addi %while3A_348, %while3A_353 : i32
      %while3A_355 = arith.constant 1 : i32
      scf.for %while3A_357 = %while3A_348 to %while3A_354 step %while3A_355  : i32 {
        %mul3A_358 = arith.muli %while3A_357, %while3A_347 : i32
        %add3A_359 = arith.addi %sub3A_336, %mul3A_358 : i32
        %dma_start3A_360 = arith.constant 0 : i32
        %dma_start3A_361 = arith.constant 0 : i32
        %dma_start3A_362 = tpu.memref_slice %arg5[%add3A_359, %select_n3A_319, %dma_start3A_360, %dma_start3A_361] : memref<8x77x64x512xf32, #tpu.memory_space<hbm>> -> memref<1x1x64x512xf32, #tpu.memory_space<hbm>>
        %dma_start3A_363 = tpu.memref_squeeze %dma_start3A_362 : memref<1x1x64x512xf32, #tpu.memory_space<hbm>> -> memref<64x512xf32, #tpu.memory_space<hbm>>
        %dma_start3A_364 = arith.constant 0 : i32
        %dma_start3A_365 = arith.constant 0 : i32
        %dma_start3A_366 = tpu.memref_slice %arg5[%add3A_359, %select_n3A_319, %dma_start3A_364, %dma_start3A_365] : memref<8x77x64x512xf32, #tpu.memory_space<hbm>> -> memref<1x1x64x512xf32, #tpu.memory_space<hbm>>
        %dma_start3A_367 = tpu.memref_squeeze %dma_start3A_366 : memref<1x1x64x512xf32, #tpu.memory_space<hbm>> -> memref<64x512xf32, #tpu.memory_space<hbm>>
        tpu.enqueue_dma source(%arg9 : memref<64x512xf32, #tpu.memory_space<vmem>>) target(%dma_start3A_367 : memref<64x512xf32, #tpu.memory_space<hbm>>) target_semaphore(%arg12 : memref<!tpu.dma_semaphore, #tpu.memory_space<semaphore_mem>>)
      }
      %while3A_356 = arith.constant 1 : i32
      scf.for %while3A_357 = %while3A_354 to %while3A_350 step %while3A_356  : i32 {
        %mul3A_358 = arith.muli %while3A_357, %while3A_347 : i32
        %add3A_359 = arith.addi %sub3A_336, %mul3A_358 : i32
        %dma_start3A_360 = arith.constant 0 : i32
        %dma_start3A_361 = arith.constant 0 : i32
        %dma_start3A_362 = tpu.memref_slice %arg5[%add3A_359, %select_n3A_319, %dma_start3A_360, %dma_start3A_361] : memref<8x77x64x512xf32, #tpu.memory_space<hbm>> -> memref<1x1x64x512xf32, #tpu.memory_space<hbm>>
        %dma_start3A_363 = tpu.memref_squeeze %dma_start3A_362 : memref<1x1x64x512xf32, #tpu.memory_space<hbm>> -> memref<64x512xf32, #tpu.memory_space<hbm>>
        %dma_start3A_364 = arith.constant 0 : i32
        %dma_start3A_365 = arith.constant 0 : i32
        %dma_start3A_366 = tpu.memref_slice %arg5[%add3A_359, %select_n3A_319, %dma_start3A_364, %dma_start3A_365] : memref<8x77x64x512xf32, #tpu.memory_space<hbm>> -> memref<1x1x64x512xf32, #tpu.memory_space<hbm>>
        %dma_start3A_367 = tpu.memref_squeeze %dma_start3A_366 : memref<1x1x64x512xf32, #tpu.memory_space<hbm>> -> memref<64x512xf32, #tpu.memory_space<hbm>>
        tpu.enqueue_dma source(%arg9 : memref<64x512xf32, #tpu.memory_space<vmem>>) target(%dma_start3A_367 : memref<64x512xf32, #tpu.memory_space<hbm>>) target_semaphore(%arg12 : memref<!tpu.dma_semaphore, #tpu.memory_space<semaphore_mem>>)
      }
    } else {
    }
    %add3A_239 = arith.constant 3 : i32
    %add3A_240 = arith.addi %select_n3A_70, %add3A_239 : i32
    %mul3A_241 = arith.constant 8 : i32
    %mul3A_242 = arith.muli %add3A_240, %mul3A_241 : i32
    %max3A_243 = arith.maxsi %select_n3A, %mul3A_242 : i32
    %add3A_244 = arith.constant 1 : i32
    %add3A_245 = arith.addi %add3A_240, %add3A_244 : i32
    %mul3A_246 = arith.constant 8 : i32
    %mul3A_247 = arith.muli %add3A_245, %mul3A_246 : i32
    %min3A_248 = arith.minsi %select_n3A_46, %mul3A_247 : i32
    %sub3A_249 = arith.subi %min3A_248, %max3A_243 : i32
    %max3A_250 = arith.constant 0 : i32
    %max3A_251 = arith.maxsi %sub3A_249, %max3A_250 : i32
    %sub3A_252 = arith.constant 0 : i32
    %sub3A_253 = arith.subi %max3A_179, %sub3A_252 : i32
    %sub3A_254 = arith.constant 1 : i32
    %sub3A_255 = arith.constant 1 : i32
    %sub3A_256 = arith.subi %sub3A_254, %sub3A_255 : i32
    %add3A_257 = arith.addi %sub3A_253, %sub3A_256 : i32
    %div3A_258 = arith.constant 1 : i32
    %div3A_259 = arith.divsi %add3A_257, %div3A_258 : i32
    %while3A_260 = arith.constant 1 : i32
    %while3A_261 = arith.constant 0 : i32
    %while3A_262 = arith.constant 0 : i32
    %while3A_263 = arith.subi %div3A_259, %while3A_262 : i32
    %while3A_264 = arith.addi %while3A_262, %while3A_263 : i32
    %while3A_265 = arith.constant 1 : i32
    %while3A_266 = arith.divsi %while3A_263, %while3A_265 : i32
    %while3A_267 = arith.muli %while3A_266, %while3A_265 : i32
    %while3A_268 = arith.addi %while3A_262, %while3A_267 : i32
    %while3A_269 = arith.constant 1 : i32
    scf.for %while3A_314 = %while3A_262 to %while3A_268 step %while3A_269  : i32 {
      %mul3A_315 = arith.muli %while3A_314, %while3A_260 : i32
      %add3A_316 = arith.addi %while3A_261, %mul3A_315 : i32
      %dma_wait3A_317 = arith.constant 0 : i32
      %dma_wait3A_318 = arith.constant 0 : i32
      %dma_wait3A_319 = arith.constant 0 : i32
      %dma_wait3A_320 = arith.constant 0 : i32
      %dma_wait3A_321 = tpu.memref_slice %arg5[%dma_wait3A_317, %dma_wait3A_318, %dma_wait3A_319, %dma_wait3A_320] : memref<8x77x64x512xf32, #tpu.memory_space<hbm>> -> memref<1x1x64x512xf32, #tpu.memory_space<hbm>>
      %dma_wait3A_322 = tpu.memref_squeeze %dma_wait3A_321 : memref<1x1x64x512xf32, #tpu.memory_space<hbm>> -> memref<64x512xf32, #tpu.memory_space<hbm>>
      %dma_wait3A_323 = arith.constant 0 : i32
      %dma_wait3A_324 = arith.constant 0 : i32
      %dma_wait3A_325 = tpu.memref_slice %arg5[%dma_wait3A_317, %dma_wait3A_318, %dma_wait3A_323, %dma_wait3A_324] : memref<8x77x64x512xf32, #tpu.memory_space<hbm>> -> memref<1x1x64x512xf32, #tpu.memory_space<hbm>>
      %dma_wait3A_326 = tpu.memref_squeeze %dma_wait3A_325 : memref<1x1x64x512xf32, #tpu.memory_space<hbm>> -> memref<64x512xf32, #tpu.memory_space<hbm>>
      tpu.wait_dma2 semaphore(%arg11 : memref<!tpu.dma_semaphore, #tpu.memory_space<semaphore_mem>>) src(%arg8 : memref<64x512xf32, #tpu.memory_space<vmem>>) dst(%dma_wait3A_326 : memref<64x512xf32, #tpu.memory_space<hbm>>)
    }
    %while3A_270 = arith.constant 1 : i32
    scf.for %while3A_314 = %while3A_268 to %while3A_264 step %while3A_270  : i32 {
      %mul3A_315 = arith.muli %while3A_314, %while3A_260 : i32
      %add3A_316 = arith.addi %while3A_261, %mul3A_315 : i32
      %dma_wait3A_317 = arith.constant 0 : i32
      %dma_wait3A_318 = arith.constant 0 : i32
      %dma_wait3A_319 = arith.constant 0 : i32
      %dma_wait3A_320 = arith.constant 0 : i32
      %dma_wait3A_321 = tpu.memref_slice %arg5[%dma_wait3A_317, %dma_wait3A_318, %dma_wait3A_319, %dma_wait3A_320] : memref<8x77x64x512xf32, #tpu.memory_space<hbm>> -> memref<1x1x64x512xf32, #tpu.memory_space<hbm>>
      %dma_wait3A_322 = tpu.memref_squeeze %dma_wait3A_321 : memref<1x1x64x512xf32, #tpu.memory_space<hbm>> -> memref<64x512xf32, #tpu.memory_space<hbm>>
      %dma_wait3A_323 = arith.constant 0 : i32
      %dma_wait3A_324 = arith.constant 0 : i32
      %dma_wait3A_325 = tpu.memref_slice %arg5[%dma_wait3A_317, %dma_wait3A_318, %dma_wait3A_323, %dma_wait3A_324] : memref<8x77x64x512xf32, #tpu.memory_space<hbm>> -> memref<1x1x64x512xf32, #tpu.memory_space<hbm>>
      %dma_wait3A_326 = tpu.memref_squeeze %dma_wait3A_325 : memref<1x1x64x512xf32, #tpu.memory_space<hbm>> -> memref<64x512xf32, #tpu.memory_space<hbm>>
      tpu.wait_dma2 semaphore(%arg11 : memref<!tpu.dma_semaphore, #tpu.memory_space<semaphore_mem>>) src(%arg8 : memref<64x512xf32, #tpu.memory_space<vmem>>) dst(%dma_wait3A_326 : memref<64x512xf32, #tpu.memory_space<hbm>>)
    }
    %gt3A_271 = arith.constant 0 : i32
    %gt3A_272 = arith.cmpi sgt, %max3A_251, %gt3A_271 : i32
    %convert_element_type3A_273 = arith.extui %gt3A_272 : i1 to i32
    %cond3A_274 = arith.constant 0 : i32
    %cond3A_275 = arith.cmpi ne, %convert_element_type3A_273, %cond3A_274 : i32
    scf.if %cond3A_275 {
      %eq3A_314 = arith.constant 0 : i32
      %eq3A_315 = arith.cmpi eq, %add3A_240, %eq3A_314 : i32
      %add3A_316 = arith.constant 4 : i32
      %add3A_317 = arith.addi %add3A_240, %add3A_316 : i32
      %jit3A_318 = arith.constant 0 : i32
      %select_n3A_319 = arith.select %eq3A_315, %jit3A_318, %add3A_317 : i32
      "tpu.region"() ({
        %run_scoped3A = tpu.sem_alloc : memref<!tpu.dma_semaphore, #tpu.memory_space<semaphore_mem>>
        %dma_start3A_357 = arith.constant 0 : i32
        %dma_start3A_358 = arith.constant 0 : i32
        %dma_start3A_359 = tpu.memref_slice %arg3[%select_n3A_319, %dma_start3A_357, %dma_start3A_358] : memref<77x1x64xi32, #tpu.memory_space<hbm>> -> memref<1x1x64xi32, #tpu.memory_space<hbm>>
        %dma_start3A_360 = tpu.memref_squeeze %dma_start3A_359 : memref<1x1x64xi32, #tpu.memory_space<hbm>> -> memref<1x64xi32, #tpu.memory_space<hbm>>
        %dma_start3A_361 = arith.constant 0 : i32
        %dma_start3A_362 = arith.constant 0 : i32
        %dma_start3A_363 = tpu.memref_slice %arg3[%select_n3A_319, %dma_start3A_361, %dma_start3A_362] : memref<77x1x64xi32, #tpu.memory_space<hbm>> -> memref<1x1x64xi32, #tpu.memory_space<hbm>>
        %dma_start3A_364 = tpu.memref_squeeze %dma_start3A_363 : memref<1x1x64xi32, #tpu.memory_space<hbm>> -> memref<1x64xi32, #tpu.memory_space<hbm>>
        tpu.enqueue_dma source(%dma_start3A_364 : memref<1x64xi32, #tpu.memory_space<hbm>>) target(%arg6 : memref<1x64xi32, #tpu.memory_space<vmem>>) target_semaphore(%run_scoped3A : memref<!tpu.dma_semaphore, #tpu.memory_space<semaphore_mem>>)
        %dma_wait3A_365 = arith.constant 0 : i32
        %dma_wait3A_366 = arith.constant 0 : i32
        %dma_wait3A_367 = tpu.memref_slice %arg3[%select_n3A_319, %dma_wait3A_365, %dma_wait3A_366] : memref<77x1x64xi32, #tpu.memory_space<hbm>> -> memref<1x1x64xi32, #tpu.memory_space<hbm>>
        %dma_wait3A_368 = tpu.memref_squeeze %dma_wait3A_367 : memref<1x1x64xi32, #tpu.memory_space<hbm>> -> memref<1x64xi32, #tpu.memory_space<hbm>>
        %dma_wait3A_369 = arith.constant 0 : i32
        %dma_wait3A_370 = arith.constant 0 : i32
        %dma_wait3A_371 = tpu.memref_slice %arg3[%select_n3A_319, %dma_wait3A_369, %dma_wait3A_370] : memref<77x1x64xi32, #tpu.memory_space<hbm>> -> memref<1x1x64xi32, #tpu.memory_space<hbm>>
        %dma_wait3A_372 = tpu.memref_squeeze %dma_wait3A_371 : memref<1x1x64xi32, #tpu.memory_space<hbm>> -> memref<1x64xi32, #tpu.memory_space<hbm>>
        tpu.wait_dma2 semaphore(%run_scoped3A : memref<!tpu.dma_semaphore, #tpu.memory_space<semaphore_mem>>) src(%dma_wait3A_372 : memref<1x64xi32, #tpu.memory_space<hbm>>) dst(%arg6 : memref<1x64xi32, #tpu.memory_space<vmem>>)
        tpu.yield
      }) : () -> ()
      %dma_start3A_320 = arith.constant 0 : i32
      %dma_start3A_321 = arith.constant 0 : i32
      %dma_start3A_322 = tpu.memref_slice %arg6[%dma_start3A_320, %dma_start3A_321] : memref<1x64xi32, #tpu.memory_space<vmem>> -> memref<1x64xi32, #tpu.memory_space<vmem>>
      %dma_start3A_323 = tpu.memref_squeeze %dma_start3A_322 : memref<1x64xi32, #tpu.memory_space<vmem>> -> memref<64xi32, #tpu.memory_space<vmem>>
      %dma_start3A_324 = arith.constant 0 : i32
      %dma_start3A_325 = arith.constant 0 : i32
      %dma_start3A_326 = tpu.memref_slice %arg2[%dma_start3A_324, %dma_start3A_325] : memref<49408x512xf32, #tpu.memory_space<hbm>> -> memref<49408x512xf32, #tpu.memory_space<hbm>>
      tpu.enqueue_indirect_dma source(%dma_start3A_326 : memref<49408x512xf32, #tpu.memory_space<hbm>>) target(%arg8 : memref<64x512xf32, #tpu.memory_space<vmem>>) offsets(%dma_start3A_323 : memref<64xi32, #tpu.memory_space<vmem>>) semaphore(%arg10 : memref<!tpu.dma_semaphore, #tpu.memory_space<semaphore_mem>>)
      %dma_wait3A_327 = arith.constant 0 : i32
      %dma_wait3A_328 = arith.constant 0 : i32
      %dma_wait3A_329 = tpu.memref_slice %arg6[%dma_wait3A_327, %dma_wait3A_328] : memref<1x64xi32, #tpu.memory_space<vmem>> -> memref<1x64xi32, #tpu.memory_space<vmem>>
      %dma_wait3A_330 = tpu.memref_squeeze %dma_wait3A_329 : memref<1x64xi32, #tpu.memory_space<vmem>> -> memref<64xi32, #tpu.memory_space<vmem>>
      %dma_wait3A_331 = arith.constant 0 : i32
      %dma_wait3A_332 = arith.constant 0 : i32
      %dma_wait3A_333 = tpu.memref_slice %arg2[%dma_wait3A_331, %dma_wait3A_332] : memref<49408x512xf32, #tpu.memory_space<hbm>> -> memref<49408x512xf32, #tpu.memory_space<hbm>>
      tpu.wait_indirect_dma semaphore(%arg10 : memref<!tpu.dma_semaphore, #tpu.memory_space<semaphore_mem>>) src(%dma_wait3A_333 : memref<49408x512xf32, #tpu.memory_space<hbm>>) dst(%arg8 : memref<64x512xf32, #tpu.memory_space<vmem>>)
      %mul3A_334 = arith.constant 8 : i32
      %mul3A_335 = arith.muli %add3A_240, %mul3A_334 : i32
      %sub3A_336 = arith.subi %max3A_243, %mul3A_335 : i32
      %mul3A_337 = arith.constant 8 : i32
      %mul3A_338 = arith.muli %add3A_240, %mul3A_337 : i32
      %sub3A_339 = arith.subi %min3A_248, %mul3A_338 : i32
      %sub3A_340 = arith.subi %sub3A_339, %sub3A_336 : i32
      %sub3A_341 = arith.constant 1 : i32
      %sub3A_342 = arith.constant 1 : i32
      %sub3A_343 = arith.subi %sub3A_341, %sub3A_342 : i32
      %add3A_344 = arith.addi %sub3A_340, %sub3A_343 : i32
      %div3A_345 = arith.constant 1 : i32
      %div3A_346 = arith.divsi %add3A_344, %div3A_345 : i32
      %while3A_347 = arith.constant 1 : i32
      %while3A_348 = arith.constant 0 : i32
      %while3A_349 = arith.subi %div3A_346, %while3A_348 : i32
      %while3A_350 = arith.addi %while3A_348, %while3A_349 : i32
      %while3A_351 = arith.constant 1 : i32
      %while3A_352 = arith.divsi %while3A_349, %while3A_351 : i32
      %while3A_353 = arith.muli %while3A_352, %while3A_351 : i32
      %while3A_354 = arith.addi %while3A_348, %while3A_353 : i32
      %while3A_355 = arith.constant 1 : i32
      scf.for %while3A_357 = %while3A_348 to %while3A_354 step %while3A_355  : i32 {
        %mul3A_358 = arith.muli %while3A_357, %while3A_347 : i32
        %add3A_359 = arith.addi %sub3A_336, %mul3A_358 : i32
        %dma_start3A_360 = arith.constant 0 : i32
        %dma_start3A_361 = arith.constant 0 : i32
        %dma_start3A_362 = tpu.memref_slice %arg5[%add3A_359, %select_n3A_319, %dma_start3A_360, %dma_start3A_361] : memref<8x77x64x512xf32, #tpu.memory_space<hbm>> -> memref<1x1x64x512xf32, #tpu.memory_space<hbm>>
        %dma_start3A_363 = tpu.memref_squeeze %dma_start3A_362 : memref<1x1x64x512xf32, #tpu.memory_space<hbm>> -> memref<64x512xf32, #tpu.memory_space<hbm>>
        %dma_start3A_364 = arith.constant 0 : i32
        %dma_start3A_365 = arith.constant 0 : i32
        %dma_start3A_366 = tpu.memref_slice %arg5[%add3A_359, %select_n3A_319, %dma_start3A_364, %dma_start3A_365] : memref<8x77x64x512xf32, #tpu.memory_space<hbm>> -> memref<1x1x64x512xf32, #tpu.memory_space<hbm>>
        %dma_start3A_367 = tpu.memref_squeeze %dma_start3A_366 : memref<1x1x64x512xf32, #tpu.memory_space<hbm>> -> memref<64x512xf32, #tpu.memory_space<hbm>>
        tpu.enqueue_dma source(%arg8 : memref<64x512xf32, #tpu.memory_space<vmem>>) target(%dma_start3A_367 : memref<64x512xf32, #tpu.memory_space<hbm>>) target_semaphore(%arg11 : memref<!tpu.dma_semaphore, #tpu.memory_space<semaphore_mem>>)
      }
      %while3A_356 = arith.constant 1 : i32
      scf.for %while3A_357 = %while3A_354 to %while3A_350 step %while3A_356  : i32 {
        %mul3A_358 = arith.muli %while3A_357, %while3A_347 : i32
        %add3A_359 = arith.addi %sub3A_336, %mul3A_358 : i32
        %dma_start3A_360 = arith.constant 0 : i32
        %dma_start3A_361 = arith.constant 0 : i32
        %dma_start3A_362 = tpu.memref_slice %arg5[%add3A_359, %select_n3A_319, %dma_start3A_360, %dma_start3A_361] : memref<8x77x64x512xf32, #tpu.memory_space<hbm>> -> memref<1x1x64x512xf32, #tpu.memory_space<hbm>>
        %dma_start3A_363 = tpu.memref_squeeze %dma_start3A_362 : memref<1x1x64x512xf32, #tpu.memory_space<hbm>> -> memref<64x512xf32, #tpu.memory_space<hbm>>
        %dma_start3A_364 = arith.constant 0 : i32
        %dma_start3A_365 = arith.constant 0 : i32
        %dma_start3A_366 = tpu.memref_slice %arg5[%add3A_359, %select_n3A_319, %dma_start3A_364, %dma_start3A_365] : memref<8x77x64x512xf32, #tpu.memory_space<hbm>> -> memref<1x1x64x512xf32, #tpu.memory_space<hbm>>
        %dma_start3A_367 = tpu.memref_squeeze %dma_start3A_366 : memref<1x1x64x512xf32, #tpu.memory_space<hbm>> -> memref<64x512xf32, #tpu.memory_space<hbm>>
        tpu.enqueue_dma source(%arg8 : memref<64x512xf32, #tpu.memory_space<vmem>>) target(%dma_start3A_367 : memref<64x512xf32, #tpu.memory_space<hbm>>) target_semaphore(%arg11 : memref<!tpu.dma_semaphore, #tpu.memory_space<semaphore_mem>>)
      }
    } else {
    }
    %sub3A_276 = arith.constant 0 : i32
    %sub3A_277 = arith.subi %max3A_251, %sub3A_276 : i32
    %sub3A_278 = arith.constant 1 : i32
    %sub3A_279 = arith.constant 1 : i32
    %sub3A_280 = arith.subi %sub3A_278, %sub3A_279 : i32
    %add3A_281 = arith.addi %sub3A_277, %sub3A_280 : i32
    %div3A_282 = arith.constant 1 : i32
    %div3A_283 = arith.divsi %add3A_281, %div3A_282 : i32
    %while3A_284 = arith.constant 1 : i32
    %while3A_285 = arith.constant 0 : i32
    %while3A_286 = arith.constant 0 : i32
    %while3A_287 = arith.subi %div3A_283, %while3A_286 : i32
    %while3A_288 = arith.addi %while3A_286, %while3A_287 : i32
    %while3A_289 = arith.constant 1 : i32
    %while3A_290 = arith.divsi %while3A_287, %while3A_289 : i32
    %while3A_291 = arith.muli %while3A_290, %while3A_289 : i32
    %while3A_292 = arith.addi %while3A_286, %while3A_291 : i32
    %while3A_293 = arith.constant 1 : i32
    scf.for %while3A_314 = %while3A_286 to %while3A_292 step %while3A_293  : i32 {
      %mul3A_315 = arith.muli %while3A_314, %while3A_284 : i32
      %add3A_316 = arith.addi %while3A_285, %mul3A_315 : i32
      %dma_wait3A_317 = arith.constant 0 : i32
      %dma_wait3A_318 = arith.constant 0 : i32
      %dma_wait3A_319 = arith.constant 0 : i32
      %dma_wait3A_320 = arith.constant 0 : i32
      %dma_wait3A_321 = tpu.memref_slice %arg5[%dma_wait3A_317, %dma_wait3A_318, %dma_wait3A_319, %dma_wait3A_320] : memref<8x77x64x512xf32, #tpu.memory_space<hbm>> -> memref<1x1x64x512xf32, #tpu.memory_space<hbm>>
      %dma_wait3A_322 = tpu.memref_squeeze %dma_wait3A_321 : memref<1x1x64x512xf32, #tpu.memory_space<hbm>> -> memref<64x512xf32, #tpu.memory_space<hbm>>
      %dma_wait3A_323 = arith.constant 0 : i32
      %dma_wait3A_324 = arith.constant 0 : i32
      %dma_wait3A_325 = tpu.memref_slice %arg5[%dma_wait3A_317, %dma_wait3A_318, %dma_wait3A_323, %dma_wait3A_324] : memref<8x77x64x512xf32, #tpu.memory_space<hbm>> -> memref<1x1x64x512xf32, #tpu.memory_space<hbm>>
      %dma_wait3A_326 = tpu.memref_squeeze %dma_wait3A_325 : memref<1x1x64x512xf32, #tpu.memory_space<hbm>> -> memref<64x512xf32, #tpu.memory_space<hbm>>
      tpu.wait_dma2 semaphore(%arg11 : memref<!tpu.dma_semaphore, #tpu.memory_space<semaphore_mem>>) src(%arg8 : memref<64x512xf32, #tpu.memory_space<vmem>>) dst(%dma_wait3A_326 : memref<64x512xf32, #tpu.memory_space<hbm>>)
    }
    %while3A_294 = arith.constant 1 : i32
    scf.for %while3A_314 = %while3A_292 to %while3A_288 step %while3A_294  : i32 {
      %mul3A_315 = arith.muli %while3A_314, %while3A_284 : i32
      %add3A_316 = arith.addi %while3A_285, %mul3A_315 : i32
      %dma_wait3A_317 = arith.constant 0 : i32
      %dma_wait3A_318 = arith.constant 0 : i32
      %dma_wait3A_319 = arith.constant 0 : i32
      %dma_wait3A_320 = arith.constant 0 : i32
      %dma_wait3A_321 = tpu.memref_slice %arg5[%dma_wait3A_317, %dma_wait3A_318, %dma_wait3A_319, %dma_wait3A_320] : memref<8x77x64x512xf32, #tpu.memory_space<hbm>> -> memref<1x1x64x512xf32, #tpu.memory_space<hbm>>
      %dma_wait3A_322 = tpu.memref_squeeze %dma_wait3A_321 : memref<1x1x64x512xf32, #tpu.memory_space<hbm>> -> memref<64x512xf32, #tpu.memory_space<hbm>>
      %dma_wait3A_323 = arith.constant 0 : i32
      %dma_wait3A_324 = arith.constant 0 : i32
      %dma_wait3A_325 = tpu.memref_slice %arg5[%dma_wait3A_317, %dma_wait3A_318, %dma_wait3A_323, %dma_wait3A_324] : memref<8x77x64x512xf32, #tpu.memory_space<hbm>> -> memref<1x1x64x512xf32, #tpu.memory_space<hbm>>
      %dma_wait3A_326 = tpu.memref_squeeze %dma_wait3A_325 : memref<1x1x64x512xf32, #tpu.memory_space<hbm>> -> memref<64x512xf32, #tpu.memory_space<hbm>>
      tpu.wait_dma2 semaphore(%arg11 : memref<!tpu.dma_semaphore, #tpu.memory_space<semaphore_mem>>) src(%arg8 : memref<64x512xf32, #tpu.memory_space<vmem>>) dst(%dma_wait3A_326 : memref<64x512xf32, #tpu.memory_space<hbm>>)
    }
    %sub3A_295 = arith.constant 0 : i32
    %sub3A_296 = arith.subi %max3A_214, %sub3A_295 : i32
    %sub3A_297 = arith.constant 1 : i32
    %sub3A_298 = arith.constant 1 : i32
    %sub3A_299 = arith.subi %sub3A_297, %sub3A_298 : i32
    %add3A_300 = arith.addi %sub3A_296, %sub3A_299 : i32
    %div3A_301 = arith.constant 1 : i32
    %div3A_302 = arith.divsi %add3A_300, %div3A_301 : i32
    %while3A_303 = arith.constant 1 : i32
    %while3A_304 = arith.constant 0 : i32
    %while3A_305 = arith.constant 0 : i32
    %while3A_306 = arith.subi %div3A_302, %while3A_305 : i32
    %while3A_307 = arith.addi %while3A_305, %while3A_306 : i32
    %while3A_308 = arith.constant 1 : i32
    %while3A_309 = arith.divsi %while3A_306, %while3A_308 : i32
    %while3A_310 = arith.muli %while3A_309, %while3A_308 : i32
    %while3A_311 = arith.addi %while3A_305, %while3A_310 : i32
    %while3A_312 = arith.constant 1 : i32
    scf.for %while3A_314 = %while3A_305 to %while3A_311 step %while3A_312  : i32 {
      %mul3A_315 = arith.muli %while3A_314, %while3A_303 : i32
      %add3A_316 = arith.addi %while3A_304, %mul3A_315 : i32
      %dma_wait3A_317 = arith.constant 0 : i32
      %dma_wait3A_318 = arith.constant 0 : i32
      %dma_wait3A_319 = arith.constant 0 : i32
      %dma_wait3A_320 = arith.constant 0 : i32
      %dma_wait3A_321 = tpu.memref_slice %arg5[%dma_wait3A_317, %dma_wait3A_318, %dma_wait3A_319, %dma_wait3A_320] : memref<8x77x64x512xf32, #tpu.memory_space<hbm>> -> memref<1x1x64x512xf32, #tpu.memory_space<hbm>>
      %dma_wait3A_322 = tpu.memref_squeeze %dma_wait3A_321 : memref<1x1x64x512xf32, #tpu.memory_space<hbm>> -> memref<64x512xf32, #tpu.memory_space<hbm>>
      %dma_wait3A_323 = arith.constant 0 : i32
      %dma_wait3A_324 = arith.constant 0 : i32
      %dma_wait3A_325 = tpu.memref_slice %arg5[%dma_wait3A_317, %dma_wait3A_318, %dma_wait3A_323, %dma_wait3A_324] : memref<8x77x64x512xf32, #tpu.memory_space<hbm>> -> memref<1x1x64x512xf32, #tpu.memory_space<hbm>>
      %dma_wait3A_326 = tpu.memref_squeeze %dma_wait3A_325 : memref<1x1x64x512xf32, #tpu.memory_space<hbm>> -> memref<64x512xf32, #tpu.memory_space<hbm>>
      tpu.wait_dma2 semaphore(%arg12 : memref<!tpu.dma_semaphore, #tpu.memory_space<semaphore_mem>>) src(%arg9 : memref<64x512xf32, #tpu.memory_space<vmem>>) dst(%dma_wait3A_326 : memref<64x512xf32, #tpu.memory_space<hbm>>)
    }
    %while3A_313 = arith.constant 1 : i32
    scf.for %while3A_314 = %while3A_311 to %while3A_307 step %while3A_313  : i32 {
      %mul3A_315 = arith.muli %while3A_314, %while3A_303 : i32
      %add3A_316 = arith.addi %while3A_304, %mul3A_315 : i32
      %dma_wait3A_317 = arith.constant 0 : i32
      %dma_wait3A_318 = arith.constant 0 : i32
      %dma_wait3A_319 = arith.constant 0 : i32
      %dma_wait3A_320 = arith.constant 0 : i32
      %dma_wait3A_321 = tpu.memref_slice %arg5[%dma_wait3A_317, %dma_wait3A_318, %dma_wait3A_319, %dma_wait3A_320] : memref<8x77x64x512xf32, #tpu.memory_space<hbm>> -> memref<1x1x64x512xf32, #tpu.memory_space<hbm>>
      %dma_wait3A_322 = tpu.memref_squeeze %dma_wait3A_321 : memref<1x1x64x512xf32, #tpu.memory_space<hbm>> -> memref<64x512xf32, #tpu.memory_space<hbm>>
      %dma_wait3A_323 = arith.constant 0 : i32
      %dma_wait3A_324 = arith.constant 0 : i32
      %dma_wait3A_325 = tpu.memref_slice %arg5[%dma_wait3A_317, %dma_wait3A_318, %dma_wait3A_323, %dma_wait3A_324] : memref<8x77x64x512xf32, #tpu.memory_space<hbm>> -> memref<1x1x64x512xf32, #tpu.memory_space<hbm>>
      %dma_wait3A_326 = tpu.memref_squeeze %dma_wait3A_325 : memref<1x1x64x512xf32, #tpu.memory_space<hbm>> -> memref<64x512xf32, #tpu.memory_space<hbm>>
      tpu.wait_dma2 semaphore(%arg12 : memref<!tpu.dma_semaphore, #tpu.memory_space<semaphore_mem>>) src(%arg9 : memref<64x512xf32, #tpu.memory_space<vmem>>) dst(%dma_wait3A_326 : memref<64x512xf32, #tpu.memory_space<hbm>>)
    }
    return
  }
}

module attributes {stable_mosaic.version = 14 : i64} {
  func.func @_mlp_body(%arg0: memref<8x512xf32, #tpu.memory_space<vmem>>, %arg1: memref<512x32xf32, #tpu.memory_space<vmem>>, %arg2: memref<1x32xf32, #tpu.memory_space<vmem>>, %arg3: memref<32x512xf32, #tpu.memory_space<vmem>>, %arg4: memref<1x512xf32, #tpu.memory_space<vmem>>, %arg5: memref<4x512xf32, #tpu.memory_space<vmem>>, %arg6: memref<1x1xf32, #tpu.memory_space<vmem>>, %arg7: memref<32x1x512xf32, #tpu.memory_space<vmem>>) attributes {dimension_semantics = [], scalar_prefetch = 0 : i64, scratch_operands = 0 : i64, tpu.core_type = #tpu.core_type<tc>} {
    %get3A = arith.constant 0 : index
    %get3A_0 = arith.constant 0 : index
    %get3A_1 = vector.load %arg0[%get3A, %get3A_0] : memref<8x512xf32, #tpu.memory_space<vmem>>, vector<8x512xf32>
    %get3A_2 = arith.constant 0 : index
    %get3A_3 = arith.constant 0 : index
    %get3A_4 = vector.load %arg1[%get3A_2, %get3A_3] : memref<512x32xf32, #tpu.memory_space<vmem>>, vector<512x32xf32>
    %dot_general3A = arith.constant dense<0.000000e+00> : vector<8x32xf32>
    %dot_general3A_5 = tpu.matmul %get3A_1, %get3A_4, %dot_general3A {dimension_numbers = #tpu.dot_dimension_numbers<[1], [0], [0], [1], [0, 0, 1, 1], [], []>, transpose_lhs_hint = false} : vector<8x512xf32>, vector<512x32xf32>, vector<8x32xf32> -> vector<8x32xf32>
    %get3A_6 = arith.constant 0 : index
    %get3A_7 = arith.constant 0 : index
    %get3A_8 = vector.load %arg2[%get3A_6, %get3A_7] : memref<1x32xf32, #tpu.memory_space<vmem>>, vector<1x32xf32>
    %add3A = vector.broadcast %get3A_8 : vector<1x32xf32> to vector<8x32xf32>
    %add3A_9 = arith.addf %dot_general3A_5, %add3A : vector<8x32xf32>
    %max3A = arith.constant 0.000000e+00 : f32
    %max3A_10 = vector.broadcast %max3A : f32 to vector<8x32xf32>
    %max3A_11 = arith.maximumf %add3A_9, %max3A_10 : vector<8x32xf32>
    %get3A_12 = arith.constant 0 : index
    %get3A_13 = arith.constant 0 : index
    %get3A_14 = vector.load %arg3[%get3A_12, %get3A_13] : memref<32x512xf32, #tpu.memory_space<vmem>>, vector<32x512xf32>
    %dot_general3A_15 = arith.constant dense<0.000000e+00> : vector<8x512xf32>
    %dot_general3A_16 = tpu.matmul %max3A_11, %get3A_14, %dot_general3A_15 {dimension_numbers = #tpu.dot_dimension_numbers<[1], [0], [0], [1], [0, 0, 1, 1], [], []>, transpose_lhs_hint = false} : vector<8x32xf32>, vector<32x512xf32>, vector<8x512xf32> -> vector<8x512xf32>
    %get3A_17 = arith.constant 0 : index
    %get3A_18 = arith.constant 0 : index
    %get3A_19 = vector.load %arg4[%get3A_17, %get3A_18] : memref<1x512xf32, #tpu.memory_space<vmem>>, vector<1x512xf32>
    %add3A_20 = vector.broadcast %get3A_19 : vector<1x512xf32> to vector<8x512xf32>
    %add3A_21 = arith.addf %dot_general3A_16, %add3A_20 : vector<8x512xf32>
    %get3A_22 = arith.constant 0 : index
    %get3A_23 = arith.constant 0 : index
    %get3A_24 = vector.load %arg6[%get3A_22, %get3A_23] : memref<1x1xf32, #tpu.memory_space<vmem>>, vector<1x1xf32>
    %get3A_25 = vector.extract %get3A_24[0, 0] : f32 from vector<1x1xf32>
    %mul3A = vector.broadcast %get3A_25 : f32 to vector<8x512xf32>
    %mul3A_26 = arith.mulf %add3A_21, %mul3A : vector<8x512xf32>
    %get3A_27 = arith.constant 0 : index
    %get3A_28 = arith.constant 0 : index
    %get3A_29 = vector.load %arg5[%get3A_27, %get3A_28] : memref<4x512xf32, #tpu.memory_space<vmem>>, vector<4x512xf32>
    %broadcast_in_dim3A = vector.shape_cast %get3A_29 : vector<4x512xf32> to vector<1x4x512xf32>
    %broadcast_in_dim3A_30 = vector.shape_cast %mul3A_26 : vector<8x512xf32> to vector<8x1x512xf32>
    %add3A_31 = vector.broadcast %broadcast_in_dim3A : vector<1x4x512xf32> to vector<8x4x512xf32>
    %add3A_32 = vector.broadcast %broadcast_in_dim3A_30 : vector<8x1x512xf32> to vector<8x4x512xf32>
    %add3A_33 = arith.addf %add3A_31, %add3A_32 : vector<8x4x512xf32>
    %reshape3A = vector.shape_cast %add3A_33 : vector<8x4x512xf32> to vector<32x1x512xf32>
    %swap3A = arith.constant 0 : index
    %swap3A_34 = arith.constant 0 : index
    %swap3A_35 = arith.constant 0 : index
    %swap3A_36 = vector.load %arg7[%swap3A, %swap3A_34, %swap3A_35] : memref<32x1x512xf32, #tpu.memory_space<vmem>>, vector<32x1x512xf32>
    tpu.vector_store %arg7[%swap3A, %swap3A_34, %swap3A_35], %reshape3A {strides = array<i32>} : memref<32x1x512xf32, #tpu.memory_space<vmem>>, vector<32x1x512xf32>,
    return
  }
}

</mosaic_0001>

<sc_bundles>
// kernel: kernel.4.cloned.1.call-start
scs
__scs_entry_jumppad:
0x0: {  	(pc) =	sbr.rel $0x88, $3  }
0x1: {  	(tag) =	ssettag $0x0;
	lr =	simm.s32 $0x1  }
0x2: {  	[smem:$0x3F98] =	sst lr;
	_ =	strace $0xD0000000  }
0x3: {  	_ = 	snop  }
0x4: {  	_ = 	snop  }
0x5: {  	_ = 	snop  }
0x6: {  	_ = 	snop  }
0x7: {  	_ = 	snop  }
__scs_overlays_trampoline_lowered:
0x8: {  	[smem:$0x3FA7] =	sst s0  }
0x9: {  	[smem:$0x3FA8] =	sst s1  }
0xa: {  	[smem:$0x3FA9] =	sst s2  }
0xb: {  	[smem:$0x3FAA] =	sst s3  }
0xc: {  	[smem:$0x3FAB] =	sst s4  }
0xd: {  	[smem:$0x3FAC] =	sst s5  }
0xe: {  	[smem:$0x3FAD] =	sst s6  }
0xf: {  	[smem:$0x3FAE] =	sst s7  }
0x10: {  	[smem:$0x3FAF] =	sst s8  }
0x11: {  	[smem:$0x3FB0] =	sst s9;
	s0 =	simm.s32 @!p0 $0x0  }
0x12: {  	s1 =	sld [smem:$0x3F96];
	s0 =	simm.s32 @p0 $0x1  }
0x13: {  	[smem:$0x3FB1] =	sst s0;
	s0 =	simm.s32 @!p1 $0x0  }
0x14: {  	s2 =	sld [smem:$0x3F95];
	s0 =	simm.s32 @p1 $0x1  }
0x15: {  	[smem:$0x3FB2] =	sst s0;
	s0 =	simm.s32 @!p2 $0x0  }
0x16: {  	s3 =	sld [smem:$0x3FDB];
	s0 =	simm.s32 @p2 $0x1  }
0x17: {  	s4 =	simm.s32 $0x1BF5;
	[smem:$0x3FB4] =	sst s0  }
0x18: {  	s0 =	sld [smem:$0x3F97];
	_ =	swait.ge [sflag:s4], $0x0  }
0x19: {  	s7 =	sld [smem:$0x3F98]  }
0x1a: {  	s8 =	sadd.s32 $0xFFFFE003, lr  }
0x1b: {  	s9 =	sadd.s32 $0xFFFFFEF7, lr;
	s5 =	simm.s32 $0xFFFFFFFF;
	p2 =	slt.u32 s8, $0xFFFFF086  }
0x1c: {  	p1 =	slt.u32 s9, $0xF7A;
	s5 =	simm.s32 @!p2 $0x0  }
0x1d: {  	s5 =	simm.s32 @p1 $0x1;
	p0 =	seq.s32 s7, s2  }
0x1e: {  	s7 =	smul.u32 @!p0 $0xF7A, s2;
	p2 =	seq.s32 @!p0 s5, $0x0  }
0x1f: {  	s9 =	smul.u32 $0xF7A, s1;
	s8 =	simm.s32 @!p0 $0x1BF5;
	p2 =	por !p2, p0  }
0x20: {  	[sflag:s8] =	ssyncset.s32 @!p0 $0xFFFFF086;
	s6 =	sadd.s32 @!p0 s3, s7;
	s7 =	simm.s32 @!p0 $0x108  }
0x21: {  	s3 =	sadd.s32 s3, s9;
	s6 =	sadd.s32 @!p0 $0x88, s6;
	s7 =	simm.s32 @p2 $0x1082  }
0x22: {  	[simem:s7], [sflag:s8] =	dma.local @!p0 [hbm:s6], $0xF7A  }
0x23: {  	s9 =	sor.u32 $0xD0000000, s2;
	s6 =	simm.s32 $0x108;
	_ =	swait.ge @!p0 [sflag:s8], $0x0  }
0x24: {  	s3 =	sadd.s32 $0x88, s3;
	s6 =	simm.s32 @!p1 $0x1082;
	[sflag:s4] =	ssyncset.s32 $0xFFFFF086  }
0x25: {  	[simem:s6], [sflag:s4] =	dma.local [hbm:s3], $0xF7A  }
0x26: {  	[smem:$0x3F98] =	sst s1;
	(tag) =	ssettag s2;
	_ =	strace s9  }
0x27: {  	s1 =	sld [smem:$0x3FA8]  }
0x28: {  	s2 =	sld [smem:$0x3FA9]  }
0x29: {  	s4 =	sld [smem:$0x3FAB]  }
0x2a: {  	p0 =	seq.s32 s5, $0x0;
	s5 =	sld [smem:$0x3FAC]  }
0x2b: {  	s6 =	sld [smem:$0x3FAD]  }
0x2c: {  	s7 =	sld [smem:$0x3FAE]  }
0x2d: {  	s3 =	simm.s32 $0x108;
	s8 =	sld [smem:$0x3FAF]  }
0x2e: {  	s3 =	simm.s32 @!p0 $0x1082;
	s9 =	sld [smem:$0x3FB0]  }
0x2f: {  	lr =	sadd.s32 s0, s3;
	s0 =	sld [smem:$0x3FA7]  }
0x30: {  	s3 =	sld [smem:$0x3FAA]  }
0x31: {  	[smem:$0x3FB3] =	sst s10  }
0x32: {  	s10 =	sld [smem:$0x3FB1];
	_ =	sdelay $0x3  }
0x33: {  	p0 =	seq.s32 s10, $0x1;
	s10 =	sld [smem:$0x3FB3];
	_ =	sdelay $0x3  }
0x34: {  	[smem:$0x3FB3] =	sst s10  }
0x35: {  	s10 =	sld [smem:$0x3FB2];
	_ =	sdelay $0x3  }
0x36: {  	p1 =	seq.s32 s10, $0x1;
	s10 =	sld [smem:$0x3FB3];
	_ =	sdelay $0x3  }
0x37: {  	[smem:$0x3FB3] =	sst s10  }
0x38: {  	s10 =	sld [smem:$0x3FB4]  }
0x39: {  	_ = 	snop;
	(pc) =	sbr.ind lr, $3  }
0x3a: {  	_ = 	snop  }
0x3b: {  	_ = 	snop  }
0x3c: {  	p2 =	seq.s32 s10, $0x1;
	s10 =	sld [smem:$0x3FB3]  }
0x3d: {  	_ =	shalt  }
0x3e: {  	_ =	shalt  }
0x3f: {  	_ =	shalt  }
0x40: {  	_ =	shalt  }
0x41: {  	_ =	shalt  }
0x42: {  	_ =	shalt  }
0x43: {  	_ =	shalt  }
0x44: {  	_ =	shalt  }
0x45: {  	_ =	shalt  }
0x46: {  	_ =	shalt  }
0x47: {  	_ =	shalt  }
0x48: {  	_ =	shalt  }
0x49: {  	_ =	shalt  }
0x4a: {  	_ =	shalt  }
0x4b: {  	_ =	shalt  }
0x4c: {  	_ =	shalt  }
0x4d: {  	_ =	shalt  }
0x4e: {  	_ =	shalt  }
0x4f: {  	_ =	shalt  }
0x50: {  	_ =	shalt  }
0x51: {  	_ =	shalt  }
0x52: {  	_ =	shalt  }
0x53: {  	_ =	shalt  }
0x54: {  	_ =	shalt  }
0x55: {  	_ =	shalt  }
0x56: {  	_ =	shalt  }
0x57: {  	_ =	shalt  }
0x58: {  	_ =	shalt  }
0x59: {  	_ =	shalt  }
0x5a: {  	_ =	shalt  }
0x5b: {  	_ =	shalt  }
0x5c: {  	_ =	shalt  }
0x5d: {  	_ =	shalt  }
0x5e: {  	_ =	shalt  }
0x5f: {  	_ =	shalt  }
0x60: {  	_ =	shalt  }
0x61: {  	_ =	shalt  }
0x62: {  	_ =	shalt  }
0x63: {  	_ =	shalt  }
0x64: {  	_ =	shalt  }
0x65: {  	_ =	shalt  }
0x66: {  	_ =	shalt  }
0x67: {  	_ =	shalt  }
0x68: {  	_ =	shalt  }
0x69: {  	_ =	shalt  }
0x6a: {  	_ =	shalt  }
0x6b: {  	_ =	shalt  }
0x6c: {  	_ =	shalt  }
0x6d: {  	_ =	shalt  }
0x6e: {  	_ =	shalt  }
0x6f: {  	_ =	shalt  }
0x70: {  	_ =	shalt  }
0x71: {  	_ =	shalt  }
0x72: {  	_ =	shalt  }
0x73: {  	_ =	shalt  }
0x74: {  	_ =	shalt  }
0x75: {  	_ =	shalt  }
0x76: {  	_ =	shalt  }
0x77: {  	_ =	shalt  }
0x78: {  	_ =	shalt  }
0x79: {  	_ =	shalt  }
0x7a: {  	_ =	shalt  }
0x7b: {  	_ =	shalt  }
0x7c: {  	_ =	shalt  }
0x7d: {  	_ =	shalt  }
0x7e: {  	_ =	shalt  }
0x7f: {  	_ =	shalt  }
0x80: {  	_ =	shalt  }
0x81: {  	_ =	shalt  }
0x82: {  	_ =	shalt  }
0x83: {  	_ =	shalt  }
0x84: {  	_ =	shalt  }
0x85: {  	_ =	shalt  }
0x86: {  	_ =	shalt  }
0x87: {  	_ =	shalt  }
.Lfunc_end0:
.L_simem_size_0:
called_computation_lowered:
.L_overlay_start_0:
0x88: {  	s2 =	sld [smem:$0x3FD9]  }
0x89: {  	s3 =	sld [smem:$0x3FFE];
	_ =	sdelay $0x1  }
0x8a: {  	s1 =	srdreg.scid  }
0x8b: {  	s0 =	sand.u32 $0x1, s1  }
0x8c: {  	s14 =	sshll.u32 s0, $0xA;
	s2 =	sadd.s32 s3, s2  }
0x8d: {  	s2 =	sadd.s32 s2, s14  }
0x8e: {  	[smem:$0x3FBF] =	sst s2  }
0x8f: {  	_ = 	snop  }
0x90: {  	s2 =	sld [smem:$0x3FD0];
	_ =	sdelay $0x2  }
0x91: {  	s4 =	simm.s32 $0xA;
	s5 =	simm.s32 $0x10;
	s15 =	sld [smem:$0x3FC8]  }
0x92: {  	[smem:s5], [sflag:s4] =	dma.local [hbm:s2], $0x1  }
0x93: {  	_ =	swait.eq [sflag:s4], $0x1  }
0x94: {  	[sflag:s4] =	ssyncset.done $0x0  }
0x95: {  	[sflag:s4] =	ssyncadd.s32 $0xFFFFFFFF  }
0x96: {  	s16 =	sld [smem:$0x10];
	(tm) =	ssettm $0x1  }
0x97: {  	s17 =	sld [smem:$0x3FFB];
	_ =	sdelay $0x3  }
0x98: {  	_ =	strace s17  }
0x99: {  	s4 =	sld [smem:$0x3FFC];
	_ =	sdelay $0x3  }
0x9a: {  	_ =	strace s4  }
0x9b: {  	s4 =	sld [smem:$0x3FFD];
	_ =	sdelay $0x3  }
0x9c: {  	_ =	strace s4  }
0x9d: {  	_ =	strace $0x8FFFFFFF  }
0x9e: {  	s18 =	sld [smem:$0x3FDB];
	_ =	sdelay $0x1  }
0x9f: {  	s19 =	simm.s32 $_scs_section_size  }
0xa0: {  	s6 =	simm.s32 $_size__tile_overlayer_lowered;
	s7 =	simm.s32 $_tile_overlayer_lowered  }
0xa1: {  	s22 =	simm.s32 $0x1BFF;
	s21 =	sshll.u32 s7, $0x1;
	s4 =	sadd.s32 s19, s18  }
0xa2: {  	s8 =	simm.s32 $0x0;
	s20 =	sshll.u32 s6, $0x1;
	s6 =	sadd.s32 s21, s4  }
0xa3: {  	[timem:s8], [sflag:s22] =	dma.local [hbm:s6], s20  }
0xa4: {  	_ =	swait.ge [sflag:s22], s20  }
0xa5: {  	s5 =	ssub.s32 $0x0, s20;
	[sflag:s22] =	ssyncset.done $0x0  }
0xa6: {  	[sflag:s22] =	ssyncadd.s32 s5;
	_ =	sdelay $0x1  }
0xa7: {  	s23 =	simm.s32 $0x1B8B  }
0xa8: {  	_ =	swait.ge [sflag:s23], $0x1  }
0xa9: {  	[sflag:s23] =	ssyncset.done $0x0  }
0xaa: {  	s25 =	simm.s32 $0x1B8E;
	s24 =	sld [smem:$0x3FFE];
	[sflag:s23] =	ssyncadd.s32 $0xFFFFFFFF  }
0xab: {  	s26 =	simm.s32 $execute0_lowered;
	[smem:$0x3FD2] =	sst s25  }
0xac: {  	s6 =	sshll.u32 s26, $0x1;
	_ =	strace $0x80000046;
	[dreg:$0x1] =	wrdreg $0xFFFFFFFF  }
0xad: {  	s28 =	simm.s32 $_size_execute0_lowered;
	s4 =	sadd.s32 s4, s6;
	[dreg:$0x0] =	wrdreg $0x0  }
0xae: {  	s6 =	sshll.u32 s28, $0x1;
	[dreg:$0x2] =	wrdreg s4  }
0xaf: {  	[dreg:$0x3] =	wrdreg s6  }
0xb0: {  	[dreg:$0x4] =	wrdreg $0xC0  }
0xb1: {  	_ =	task [dreg:s8], $0x5FFFF  }
0xb2: {  	[dreg:$0x1] =	wrdreg $0xFFFFFFFF  }
0xb3: {  	[dreg:$0x0] =	wrdreg $0x60  }
0xb4: {  	[dreg:$0x2] =	wrdreg s15  }
0xb5: {  	[dreg:$0x3] =	wrdreg s24  }
0xb6: {  	[dreg:$0x4] =	wrdreg s16  }
0xb7: {  	[dreg:$0x5] =	wrdreg $0x9  }
0xb8: {  	_ =	task.clear_ibuf [dreg:s8], $0x6FFFF;
	_ =	strace $0x90000046  }
0xb9: {  	s29 =	simm.s32 $0x9;
	_ =	strace $0x80000048  }
0xba: {  	_ =	swait.ge [sflag:s29], $0x1  }
0xbb: {  	[sflag:s29] =	ssyncadd.s32 $0xFFFFFFFF  }
0xbc: {  	_ =	strace $0x90000048  }
0xbd: {  	_ =	sfence  }
0xbe: {  	s30 =	sld [smem:$0x0];
	_ =	sdelay $0x2  }
0xbf: {  	s31 =	sshll.u32 s1, $0xD;
	s1 =	sshrl.u32 s1, $0x2  }
0xc0: {  	s3 =	sand.u32 $0x4000, s31;
	s1 =	sadd.s32 s1, s30  }
0xc1: {  	s0 =	sor.u32 s3, s0;
	s1 =	sshll.u32 s1, $0x11  }
0xc2: {  	s0 =	sor.u32 s1, s0  }
0xc3: {  	s0 =	sadd.s32 $0x8F2B, s0  }
0xc4: {  	[sflag:s0] =	ssyncadd.remote.s32 $0x1  }
0xc5: {  	_ =	sfence.sel $0xFFFF  }
0xc6: {  	[dreg:$0x0] =	wrdreg $0xFFFFFFFF;
	(pc) =	sbr.abs _section_cstart, $3  }
0xc7: {  	[dreg:$0x1] =	wrdreg $0xFFFFFFFF  }
0xc8: {  	_ =	task.clear_ibuf [dreg:s8], $0x2FFFF;
	_ =	strace $0x9FFFFFFF  }
0xc9: {  	(tm) =	ssettm $0x7FFFFFFF  }
tec
execute0_lowered:
.L_overlay_start_1:
0x0: {  	(tag) =	ssettag $0x1  }
0x1: {  	s1 =	rddreg [dreg:$0x0]  }
0x2: {  	s0 =	srdreg.scid;
	s2 =	rddreg [dreg:$0x1]  }
0x3: {  	s23 =	stileid.u32;
	s3 =	rddreg [dreg:$0x2]  }
0x4: {  	s13 =	simm.s32 $0x1;
	s28 =	simm.s32 $0x280;
	s29 =	simm.s32 $0x2  }
0x5: {  	s30 =	simm.s32 $0x3;
	s31 =	simm.s32 $0x0;
	s9 =	sand.u32 $0x1, s0  }
0x6: {  	s16 =	sshll.u32 s23, $0x1;
	s20 =	sshrl.u32 s23, $0x1;
	s23 =	smul.u32 $0x490, s23  }
0x7: {  	s6 =	sor.u32 s9, s16;
	s17 =	ssub.s32 $0x2, s9;
	s9 =	smul.u32 $0x248, s9  }
0x8: {  	s14 =	sadd.s32 $0x1200, s2;
	s0 =	smul.u32 $0x248, s6;
	s7 =	sshll.u32 s6, $0x6  }
0x9: {  	s18 =	sshrl.u32 s17, $0x1;
	s10 =	sshll.u32 s6, $0xF;
	s2 =	sadd.s32 s7, s2  }
0xa: {  	s21 =	sand.u32 $0x18000, s10;
	s12 =	sshrl.u32 s0, $0x5;
	s4 =	sand.u32 $0xE0, s0  }
0xb: {  	s5 =	sshrl.u32 s0, $0x8;
	p0 =	seq.s32 s12, $0x0;
	p1 =	sne.s32 s4, $0x0  }
0xc: {  	s8 =	sadd.s32 $0x248, s0;
	s0 =	ssub.s32 s17, s18;
	p0 =	por !p0, !p1  }
0xd: {  	s4 =	simm.s32 $0x0;
	s17 =	sshrl.u32 s8, $0x5;
	p0 =	por !p0, !p0  }
0xe: {  	s8 =	smul.u32 $0x268000, s20;
	[smem:$0x7FF] =	sst s4;
	s13 =	simm.s32 @!p0 $0x0  }
0xf: {  	s9 =	sadd.s32 s9, s23;
	_ =	strace $0x80000047;
	s15 =	ssub.s32 s5, s13  }
0x10: {  	s18 =	sadd.s32 s21, s8;
	s5 =	simm.s32 $0x1;
	s16 =	sadd.s32 $0x4, s15  }
0x11: {  	p0 =	seq.s32 s15, $0x0;
	s22 =	sadd.s32 $0x1, s15;
	s26 =	sshll.u32 s15, $0x3  }
0x12: {  	s11 =	smov.u32 s16;
	s24 =	sshll.u32 s22, $0x3;
	s20 =	sadd.s32 $0x10, s26  }
0x13: {  	s16 =	sshll.u32 s16, $0x3;
	s11 =	simm.s32 @p0 $0x0;
	p0 =	seq.s32 s22, $0x0  }
0x14: {  	s25 =	smin.u32 s17, s24;
	s8 =	smax.u32 s12, s24;
	s21 =	smin.u32 s17, s20  }
0x15: {  	s20 =	smax.u32 s12, s20;
	s16 =	smin.u32 s17, s16;
	s19 =	sshll.u32 s11, $0x4  }
0x16: {  	s8 =	ssub.s32 s21, s8;
	s7 =	sand.u32 $0x1FFFFFF0, s19;
	s19 =	sadd.s32 $0x5, s15  }
0x17: {  	s15 =	sshll.u32 s15, $0x4;
	p1 =	slt.s32 s8, $0x1;
	s6 =	sadd.s32 s14, s7  }
0x18: {  	s7 =	ssub.s32 s25, s12;
	s19 =	simm.s32 @p0 $0x0;
	s25 =	sadd.s32 $0x18, s26  }
0x19: {  	s22 =	sshll.u32 s19, $0x4;
	s21 =	smin.u32 s17, s25;
	s12 =	smax.u32 s12, s25  }
0x1a: {  	p0 =	slt.s32 s7, $0x1;
	s24 =	sand.u32 $0x1FFFFFF0, s22;
	s10 =	ssub.s32 s21, s20  }
0x1b: {  	s12 =	ssub.s32 s16, s12;
	s26 =	sadd.s32 s14, s24;
	s24 =	sadd.s32 $0x60, s15  }
0x1c: {  	s15 =	sadd.s32 $0x70, s15;
	p2 =	slt.s32 s10, $0x1;
	p3 =	slt.s32 s12, $0x1  }
0x1d: {  	p4 =	sgt.s32 s10, $0x0;
	[dreg:$0x4] =	wrdreg s26;
	s21 =	sand.u32 $0x1FFFFFF0, s24  }
0x1e: {  	s26 =	sshrl.u32 s9, $0x5;
	s15 =	sand.u32 $0x1FFFFFF0, s15;
	s25 =	sadd.s32 s14, s21  }
0x1f: {  	s9 =	sshrl.u32 s9, $0x8;
	s20 =	sadd.s32 s14, s15;
	[dreg:$0x5] =	wrdreg s25  }
0x20: {  	s17 =	smul.u32 $0x268000, s26;
	s9 =	ssub.s32 s9, s13;
	[dreg:$0x6] =	wrdreg s20  }
0x21: {  	s13 =	smul.u32 $0x1340000, s9;
	s21 =	sshll.u32 s9, $0x3;
	s25 =	sshrl.u32 s18, $0x3  }
0x22: {  	s18 =	sshll.u32 s11, $0xF;
	s9 =	smul.u32 $0x1338000, s9;
	s22 =	sadd.s32 $0x8, s21  }
0x23: {  	s23 =	sadd.s32 $0x10, s21;
	s14 =	sadd.s32 $0x18, s21;
	s15 =	smax.u32 s26, s22  }
0x24: {  	s20 =	smax.u32 s26, s23;
	s24 =	smax.u32 s26, s14;
	s26 =	smul.u32 $0x268000, s15  }
0x25: {  	s16 =	sadd.s32 s3, s25;
	s14 =	sadd.s32 $0x100, s1;
	s20 =	smul.u32 $0x268000, s20  }
0x26: {  	s16 =	sadd.s32 $0x1000, s16;
	s23 =	sshll.u32 s19, $0xF;
	s24 =	smul.u32 $0x268000, s24  }
.Ltmp0:
0x27: {  	s15 =	sadd.s32 $0x1800, s2;
	s2 =	sadd.s32 s18, s17;
	(pc) =	sbr.rel .LBB2_1-.Ltmp0, $4  }
0x28: {  	s22 =	simm.s32 $0x4;
	s17 =	smax.u32 s0, $0x1;
	s18 =	ssub.s32 s2, s13  }
0x29: {  	v2 =	vlaneseq.u32;
	s25 =	sadd.s32 s23, s26;
	s26 =	ssub.s32 s20, s9;
	s9 =	ssub.s32 s24, s9  }
0x2a: {  	vm0 =	vmmov $0xffff;
	v1 =	vshrl.u32 v2, $0x3;
	s23 =	simm.s32 $0x8280;
	s0 =	ssub.s32 s25, s13;
	s20 =	sadd.s32 $0xFD9B0000, s26  }
0x2b: {  	v0 =	vand.u32 $0x7, v2;
	v2 =	vor.u32 $0x8, v2;
	v1 =	vmul.u32 $0x8, v1;
	s21 =	sadd.s32 $0xFC678000, s9;
	s26 =	simm.s32 $0xFA80;
	s19 =	sadd.s32 $0xFECC0000, s0  }
.LBB2_34:
0x2c: {  	[sflag:s30] =	ssyncadd.s32 $0xFFFF8000  }
.LBB2_35:
0x2d: {  	s31 =	sadd.s32 $0x1, s31  }
0x2e: {  	p5 =	sne.s32 s31, s17  }
.Ltmp1:
0x2f: {  	_ = 	snop;
	(pc) =	sbr.rel @!p5 .LBB2_36-.Ltmp1, $1  }
0x30: {  	_ =	sdelay $0x3  }
.LBB2_1:
0x31: {  	[tilespmem:s4], [sflag:$0x4] =	stream.linear.gather [hbm4b:s6+s4], $0x80, $0x38;
	[tilespmem:$0x10280] =	vst v63  }
0x32: {  	_ =	swait.ge [sflag:s22], $0x80  }
0x33: {  	[sflag:s22] =	ssyncset.done $0x0  }
0x34: {  	[sflag:s22] =	ssyncadd.s32 $0xFFFFFF80  }
0x35: {  	v3 =	vld [tilespmem:$0x0];
	_ =	sdelay $0x4  }
0x36: {  	v4 =	vshll.u32 v3, $0x2  }
0x37: {  	v3 =	vand.u32 $0x7, v3;
	v4 =	vand.u32 $0xFFFFFFE0, v4  }
0x38: {  	v3 =	vor.u32 v3, v4  }
0x39: {  	v4 =	vperm.xlane v3, v0;
	_ =	sdelay $0x1  }
0x3a: {  	v4 =	vadd.s32 v1, v4;
	_ =	sdelay $0x1  }
0x3b: {  	v3 =	vperm.xlane v3, v2;
	_ =	sdelay $0x1  }
0x3c: {  	v3 =	vadd.s32 v1, v3  }
0x3d: {  	[tilespmem:s23], [sflag:$0x1] =	stream.indirect_vreg.gather [hbm4b:s1+s4], $0x80, v4, vm0, $0xb8;
	[tilespmem:$0x10280] =	vst v63  }
0x3e: {  	s0 =	simm.s32 $0x8A80  }
0x3f: {  	[tilespmem:s0], [sflag:$0x1] =	stream.indirect_vreg.gather [hbm4b:s14+s4], $0x80, v4, vm0, $0xb8;
	[tilespmem:$0x10280] =	vst v63  }
0x40: {  	s24 =	simm.s32 $0x9280  }
0x41: {  	[tilespmem:s24], [sflag:$0x1] =	stream.indirect_vreg.gather [hbm4b:s1+s4], $0x80, v3, vm0, $0xb8;
	[tilespmem:$0x10280] =	vst v63  }
0x42: {  	s25 =	simm.s32 $0x9A80  }
0x43: {  	[tilespmem:s25], [sflag:$0x1] =	stream.indirect_vreg.gather [hbm4b:s14+s4], $0x80, v3, vm0, $0xb8;
	[tilespmem:$0x10280] =	vst v63  }
0x44: {  	v3 =	vld [tilespmem:$0x10];
	_ =	sdelay $0x4  }
0x45: {  	v61 =	vshll.u32 v3, $0x2  }
0x46: {  	v3 =	vand.u32 $0x7, v3;
	v4 =	vand.u32 $0xFFFFFFE0, v61  }
0x47: {  	v3 =	vor.u32 v3, v4  }
0x48: {  	v4 =	vperm.xlane v3, v0;
	_ =	sdelay $0x1  }
0x49: {  	v4 =	vadd.s32 v1, v4;
	_ =	sdelay $0x1  }
0x4a: {  	v3 =	vperm.xlane v3, v2;
	_ =	sdelay $0x1  }
0x4b: {  	s2 =	simm.s32 $0xA280;
	v3 =	vadd.s32 v1, v3  }
0x4c: {  	[tilespmem:s2], [sflag:$0x1] =	stream.indirect_vreg.gather [hbm4b:s1+s4], $0x80, v4, vm0, $0xb8;
	[tilespmem:$0x10280] =	vst v63  }
0x4d: {  	s9 =	simm.s32 $0xAA80  }
0x4e: {  	[tilespmem:s9], [sflag:$0x1] =	stream.indirect_vreg.gather [hbm4b:s14+s4], $0x80, v4, vm0, $0xb8;
	[tilespmem:$0x10280] =	vst v63  }
0x4f: {  	s11 =	simm.s32 $0xB280  }
0x50: {  	[tilespmem:s11], [sflag:$0x1] =	stream.indirect_vreg.gather [hbm4b:s1+s4], $0x80, v3, vm0, $0xb8;
	[tilespmem:$0x10280] =	vst v63  }
0x51: {  	s13 =	simm.s32 $0xBA80  }
0x52: {  	[tilespmem:s13], [sflag:$0x1] =	stream.indirect_vreg.gather [hbm4b:s14+s4], $0x80, v3, vm0, $0xb8;
	[tilespmem:$0x10280] =	vst v63  }
0x53: {  	v3 =	vld [tilespmem:$0x20];
	_ =	sdelay $0x4  }
0x54: {  	v62 =	vshll.u32 v3, $0x2  }
0x55: {  	v3 =	vand.u32 $0x7, v3;
	v4 =	vand.u32 $0xFFFFFFE0, v62  }
0x56: {  	v3 =	vor.u32 v3, v4  }
0x57: {  	v4 =	vperm.xlane v3, v0;
	_ =	sdelay $0x1  }
0x58: {  	v4 =	vadd.s32 v1, v4;
	_ =	sdelay $0x1  }
0x59: {  	v3 =	vperm.xlane v3, v2;
	_ =	sdelay $0x1  }
0x5a: {  	s24 =	simm.s32 $0xC280;
	v3 =	vadd.s32 v1, v3  }
0x5b: {  	[tilespmem:s24], [sflag:$0x1] =	stream.indirect_vreg.gather [hbm4b:s1+s4], $0x80, v4, vm0, $0xb8;
	[tilespmem:$0x10280] =	vst v63  }
0x5c: {  	s25 =	simm.s32 $0xCA80  }
0x5d: {  	[tilespmem:s25], [sflag:$0x1] =	stream.indirect_vreg.gather [hbm4b:s14+s4], $0x80, v4, vm0, $0xb8;
	[tilespmem:$0x10280] =	vst v63  }
0x5e: {  	s2 =	simm.s32 $0xD280  }
0x5f: {  	[tilespmem:s2], [sflag:$0x1] =	stream.indirect_vreg.gather [hbm4b:s1+s4], $0x80, v3, vm0, $0xb8;
	[tilespmem:$0x10280] =	vst v63  }
0x60: {  	s9 =	simm.s32 $0xDA80  }
0x61: {  	[tilespmem:s9], [sflag:$0x1] =	stream.indirect_vreg.gather [hbm4b:s14+s4], $0x80, v3, vm0, $0xb8;
	[tilespmem:$0x10280] =	vst v63  }
0x62: {  	v3 =	vld [tilespmem:$0x30];
	_ =	sdelay $0x4  }
0x63: {  	v63 =	vshll.u32 v3, $0x2  }
0x64: {  	v3 =	vand.u32 $0x7, v3;
	v4 =	vand.u32 $0xFFFFFFE0, v63  }
0x65: {  	v3 =	vor.u32 v3, v4  }
0x66: {  	v4 =	vperm.xlane v3, v0;
	_ =	sdelay $0x1  }
0x67: {  	v4 =	vadd.s32 v1, v4;
	_ =	sdelay $0x1  }
0x68: {  	v3 =	vperm.xlane v3, v2;
	_ =	sdelay $0x1  }
0x69: {  	s11 =	simm.s32 $0xE280;
	v3 =	vadd.s32 v1, v3  }
0x6a: {  	[tilespmem:s11], [sflag:$0x1] =	stream.indirect_vreg.gather [hbm4b:s1+s4], $0x80, v4, vm0, $0xb8;
	[tilespmem:$0x10280] =	vst v63  }
0x6b: {  	s13 =	simm.s32 $0xEA80  }
0x6c: {  	[tilespmem:s13], [sflag:$0x1] =	stream.indirect_vreg.gather [hbm4b:s14+s4], $0x80, v4, vm0, $0xb8;
	[tilespmem:$0x10280] =	vst v63  }
0x6d: {  	s24 =	simm.s32 $0xF280  }
0x6e: {  	[tilespmem:s24], [sflag:$0x1] =	stream.indirect_vreg.gather [hbm4b:s1+s4], $0x80, v3, vm0, $0xb8;
	[tilespmem:$0x10280] =	vst v63  }
0x6f: {  	_ = 	snop  }
0x70: {  	[tilespmem:s26], [sflag:$0x1] =	stream.indirect_vreg.gather [hbm4b:s14+s4], $0x80, v3, vm0, $0xb8;
	[tilespmem:$0x10280] =	vst v63  }
0x71: {  	s25 =	simm.s32 $0x80  }
0x72: {  	[tilespmem:s25], [sflag:$0x4] =	stream.linear.gather [hbm4b:s15+s4], $0x200, $0x38;
	[tilespmem:$0x10280] =	vst v63  }
0x73: {  	_ =	swait.ge [sflag:s22], $0x200  }
0x74: {  	[sflag:s22] =	ssyncset.done $0x0  }
0x75: {  	s2 =	simm.s32 $0x0;
	[sflag:s22] =	ssyncadd.s32 $0xFFFFFE00  }
.LBB2_2:
0x76: {  	s0 =	sshll.u32 s2, $0x9;
	s9 =	sshll.u32 s2, $0x7;
	s11 =	simm.s32 $0x80  }
0x77: {  	s0 =	sand.u32 $0x7000, s0;
	s9 =	sand.u32 $0x380, s9;
	v3 =	vld [tilespmem:s11+$0x0]  }
0x78: {  	s9 =	sor.u32 s9, s0;
	s0 =	simm.s32 $0x0  }
0x79: {  	s9 =	sadd.s32 $0x280, s9;
	s25 =	sand.u32 $0xC00, s0  }
0x7a: {  	s13 =	sand.u32 $0x70, s0;
	s11 =	sadd.s32 s25, s9  }
0x7b: {  	s13 =	sadd.s32 s13, s11  }
0x7c: {  	s11 =	simm.s32 $0x10;
	[tilespmem:s13+$0x0] =	vst v3;
	s13 =	simm.s32 $0x90  }
.LBB2_3:
0x7d: {  	v3 =	vld [tilespmem:s13+$0x0];
	p5 =	sne.s32 s11, $0x1F0;
	s24 =	smov.u32 s11;
	s11 =	sadd.s32 $0x10, s11  }
.Ltmp2:
0x7e: {  	s0 =	sadd.s32 $0x80, s0;
	(pc) =	sbr.rel @p5 .LBB2_3-.Ltmp2, $4  }
0x7f: {  	s25 =	sand.u32 $0xC00, s0  }
0x80: {  	s24 =	sand.u32 $0x70, s24;
	s25 =	sadd.s32 s25, s9  }
0x81: {  	s24 =	sadd.s32 s24, s25  }
0x82: {  	s13 =	sadd.s32 $0x10, s13;
	[tilespmem:s24+$0x0] =	vst v3  }
0x83: {  	s2 =	sadd.s32 $0x1, s2  }
0x84: {  	p5 =	sne.s32 s2, $0x40  }
.Ltmp3:
0x85: {  	_ = 	snop;
	(pc) =	sbr.rel @p5 .LBB2_2-.Ltmp3, $1  }
0x86: {  	_ =	sdelay $0x3  }
.Ltmp4:
0x87: {  	s0 =	simm.s32 $0x0;
	(pc) =	sbr.rel @p0 .LBB2_9-.Ltmp4, $4  }
0x88: {  	[hbm4b:s16+s0] =	stream.linear.scatter [tilespmem:s28], [sflag:$0x2], $0x8000, $0x38;
	[tilespmem:$0x10280] =	vst v63  }
0x89: {  	_ =	swait.ge [sflag:s5], $0x8000  }
0x8a: {  	[sflag:s5] =	ssyncset.done $0x0  }
0x8b: {  	[sflag:s5] =	ssyncadd.s32 $0xFFFF8000  }
0x8c: {  	s0 =	sadd.s32 $0x1, s0  }
0x8d: {  	p5 =	slt.s32 s0, s7  }
.Ltmp5:
0x8e: {  	_ = 	snop;
	(pc) =	sbr.rel @!p5 .LBB2_8-.Ltmp5, $3  }
0x8f: {  	_ =	sdelay $0x1  }
0x90: {  	s2 =	sshrl.u32 s18, $0x3  }
0x91: {  	s9 =	sadd.s32 s3, s2;
	s2 =	sadd.s32 $0x268000, s18  }
.LBB2_7:
0x92: {  	[hbm4b:s9+s4] =	stream.linear.scatter [tilespmem:s23], [sflag:$0x3], $0x8000, $0x38;
	[tilespmem:$0x10280] =	vst v63  }
0x93: {  	s0 =	sadd.s32 $0x1, s0  }
0x94: {  	p5 =	slt.s32 s0, s7  }
.Ltmp6:
0x95: {  	(pc) =	sbr.rel @p5 .LBB2_7-.Ltmp6, $3  }
0x96: {  	_ =	sdelay $0x1  }
0x97: {  	s9 =	sshrl.u32 s2, $0x3  }
0x98: {  	s2 =	sadd.s32 $0x268000, s2;
	s9 =	sadd.s32 s3, s9  }
.LBB2_8:
0x99: {  	[hbm4b:s9+s4] =	stream.linear.scatter [tilespmem:s23], [sflag:$0x3], $0x8000, $0x38;
	[tilespmem:$0x10280] =	vst v63  }
.LBB2_9:
.Ltmp7:
0x9a: {  	(pc) =	sbr.rel @p1 .LBB2_13-.Ltmp7, $4  }
0x9b: {  	_ = 	snop  }
0x9c: {  	_ =	swait.ge [sflag:s29], $0x8000  }
0x9d: {  	[sflag:s29] =	ssyncset.done $0x0  }
0x9e: {  	[sflag:s29] =	ssyncadd.s32 $0xFFFF8000  }
0x9f: {  	s0 =	simm.s32 $0x0;
	s2 =	rddreg [dreg:$0x4]  }
0xa0: {  	[tilespmem:s0], [sflag:$0x4] =	stream.linear.gather [hbm4b:s2+s0], $0x80, $0x38;
	[tilespmem:$0x10280] =	vst v63  }
0xa1: {  	_ =	swait.ge [sflag:s22], $0x80  }
0xa2: {  	[sflag:s22] =	ssyncset.done $0x0  }
0xa3: {  	[sflag:s22] =	ssyncadd.s32 $0xFFFFFF80  }
0xa4: {  	v3 =	vld [tilespmem:$0x0];
	_ =	sdelay $0x4  }
0xa5: {  	v4 =	vshll.u32 v3, $0x2  }
0xa6: {  	v3 =	vand.u32 $0x7, v3;
	v4 =	vand.u32 $0xFFFFFFE0, v4  }
0xa7: {  	v3 =	vor.u32 v3, v4  }
0xa8: {  	v4 =	vperm.xlane v3, v0;
	_ =	sdelay $0x1  }
0xa9: {  	v4 =	vadd.s32 v1, v4;
	_ =	sdelay $0x1  }
0xaa: {  	v3 =	vperm.xlane v3, v2;
	_ =	sdelay $0x1  }
0xab: {  	v3 =	vadd.s32 v1, v3  }
0xac: {  	[tilespmem:s28], [sflag:$0x1] =	stream.indirect_vreg.gather [hbm4b:s1+s0], $0x80, v4, vm0, $0xb8;
	[tilespmem:$0x10280] =	vst v63  }
0xad: {  	s25 =	simm.s32 $0xA80  }
0xae: {  	[tilespmem:s25], [sflag:$0x1] =	stream.indirect_vreg.gather [hbm4b:s14+s0], $0x80, v4, vm0, $0xb8;
	[tilespmem:$0x10280] =	vst v63  }
0xaf: {  	s9 =	simm.s32 $0x1280  }
0xb0: {  	[tilespmem:s9], [sflag:$0x1] =	stream.indirect_vreg.gather [hbm4b:s1+s0], $0x80, v3, vm0, $0xb8;
	[tilespmem:$0x10280] =	vst v63  }
0xb1: {  	s11 =	simm.s32 $0x1A80  }
0xb2: {  	[tilespmem:s11], [sflag:$0x1] =	stream.indirect_vreg.gather [hbm4b:s14+s0], $0x80, v3, vm0, $0xb8;
	[tilespmem:$0x10280] =	vst v63  }
0xb3: {  	v3 =	vld [tilespmem:$0x10];
	_ =	sdelay $0x4  }
0xb4: {  	v61 =	vshll.u32 v3, $0x2  }
0xb5: {  	v3 =	vand.u32 $0x7, v3;
	v4 =	vand.u32 $0xFFFFFFE0, v61  }
0xb6: {  	v3 =	vor.u32 v3, v4  }
0xb7: {  	v4 =	vperm.xlane v3, v0;
	_ =	sdelay $0x1  }
0xb8: {  	v4 =	vadd.s32 v1, v4;
	_ =	sdelay $0x1  }
0xb9: {  	v3 =	vperm.xlane v3, v2;
	_ =	sdelay $0x1  }
0xba: {  	s13 =	simm.s32 $0x2280;
	v3 =	vadd.s32 v1, v3  }
0xbb: {  	[tilespmem:s13], [sflag:$0x1] =	stream.indirect_vreg.gather [hbm4b:s1+s0], $0x80, v4, vm0, $0xb8;
	[tilespmem:$0x10280] =	vst v63  }
0xbc: {  	s24 =	simm.s32 $0x2A80  }
0xbd: {  	[tilespmem:s24], [sflag:$0x1] =	stream.indirect_vreg.gather [hbm4b:s14+s0], $0x80, v4, vm0, $0xb8;
	[tilespmem:$0x10280] =	vst v63  }
0xbe: {  	s25 =	simm.s32 $0x3280  }
0xbf: {  	[tilespmem:s25], [sflag:$0x1] =	stream.indirect_vreg.gather [hbm4b:s1+s0], $0x80, v3, vm0, $0xb8;
	[tilespmem:$0x10280] =	vst v63  }
0xc0: {  	s9 =	simm.s32 $0x3A80  }
0xc1: {  	[tilespmem:s9], [sflag:$0x1] =	stream.indirect_vreg.gather [hbm4b:s14+s0], $0x80, v3, vm0, $0xb8;
	[tilespmem:$0x10280] =	vst v63  }
0xc2: {  	v3 =	vld [tilespmem:$0x20];
	_ =	sdelay $0x4  }
0xc3: {  	v62 =	vshll.u32 v3, $0x2  }
0xc4: {  	v3 =	vand.u32 $0x7, v3;
	v4 =	vand.u32 $0xFFFFFFE0, v62  }
0xc5: {  	v3 =	vor.u32 v3, v4  }
0xc6: {  	v4 =	vperm.xlane v3, v0;
	_ =	sdelay $0x1  }
0xc7: {  	v4 =	vadd.s32 v1, v4;
	_ =	sdelay $0x1  }
0xc8: {  	v3 =	vperm.xlane v3, v2;
	_ =	sdelay $0x1  }
0xc9: {  	s11 =	simm.s32 $0x4280;
	v3 =	vadd.s32 v1, v3  }
0xca: {  	[tilespmem:s11], [sflag:$0x1] =	stream.indirect_vreg.gather [hbm4b:s1+s0], $0x80, v4, vm0, $0xb8;
	[tilespmem:$0x10280] =	vst v63  }
0xcb: {  	s13 =	simm.s32 $0x4A80  }
0xcc: {  	[tilespmem:s13], [sflag:$0x1] =	stream.indirect_vreg.gather [hbm4b:s14+s0], $0x80, v4, vm0, $0xb8;
	[tilespmem:$0x10280] =	vst v63  }
0xcd: {  	s24 =	simm.s32 $0x5280  }
0xce: {  	[tilespmem:s24], [sflag:$0x1] =	stream.indirect_vreg.gather [hbm4b:s1+s0], $0x80, v3, vm0, $0xb8;
	[tilespmem:$0x10280] =	vst v63  }
0xcf: {  	s25 =	simm.s32 $0x5A80  }
0xd0: {  	[tilespmem:s25], [sflag:$0x1] =	stream.indirect_vreg.gather [hbm4b:s14+s0], $0x80, v3, vm0, $0xb8;
	[tilespmem:$0x10280] =	vst v63  }
0xd1: {  	v3 =	vld [tilespmem:$0x30];
	_ =	sdelay $0x4  }
0xd2: {  	v63 =	vshll.u32 v3, $0x2  }
0xd3: {  	v3 =	vand.u32 $0x7, v3;
	v4 =	vand.u32 $0xFFFFFFE0, v63  }
0xd4: {  	v3 =	vor.u32 v3, v4  }
0xd5: {  	v4 =	vperm.xlane v3, v0;
	_ =	sdelay $0x1  }
0xd6: {  	v4 =	vadd.s32 v1, v4;
	_ =	sdelay $0x1  }
0xd7: {  	v3 =	vperm.xlane v3, v2;
	_ =	sdelay $0x1  }
0xd8: {  	s9 =	simm.s32 $0x6280;
	v3 =	vadd.s32 v1, v3  }
0xd9: {  	[tilespmem:s9], [sflag:$0x1] =	stream.indirect_vreg.gather [hbm4b:s1+s0], $0x80, v4, vm0, $0xb8;
	[tilespmem:$0x10280] =	vst v63  }
0xda: {  	s11 =	simm.s32 $0x6A80  }
0xdb: {  	[tilespmem:s11], [sflag:$0x1] =	stream.indirect_vreg.gather [hbm4b:s14+s0], $0x80, v4, vm0, $0xb8;
	[tilespmem:$0x10280] =	vst v63  }
0xdc: {  	p5 =	sgt.s32 s8, $0x1;
	s13 =	simm.s32 $0x7280  }
0xdd: {  	[tilespmem:s13], [sflag:$0x1] =	stream.indirect_vreg.gather [hbm4b:s1+s0], $0x80, v3, vm0, $0xb8;
	[tilespmem:$0x10280] =	vst v63  }
.Ltmp8:
0xde: {  	s24 =	simm.s32 $0x7A80;
	(pc) =	sbr.rel @!p5 .LBB2_12-.Ltmp8, $4  }
0xdf: {  	[tilespmem:s24], [sflag:$0x1] =	stream.indirect_vreg.gather [hbm4b:s14+s0], $0x80, v3, vm0, $0xb8;
	[tilespmem:$0x10280] =	vst v63  }
0xe0: {  	_ =	swait.ge [sflag:s5], $0x8000  }
0xe1: {  	s2 =	sadd.s32 $0x268000, s19;
	s25 =	sshrl.u32 s19, $0x3;
	[sflag:s5] =	ssyncset.done $0x0  }
0xe2: {  	s9 =	sadd.s32 s3, s25;
	s0 =	simm.s32 $0x1;
	[sflag:s5] =	ssyncadd.s32 $0xFFFF8000  }
.LBB2_11:
0xe3: {  	[hbm4b:s9+s4] =	stream.linear.scatter [tilespmem:s28], [sflag:$0x2], $0x8000, $0x38;
	[tilespmem:$0x10280] =	vst v63  }
0xe4: {  	s0 =	sadd.s32 $0x1, s0  }
0xe5: {  	p5 =	slt.s32 s0, s8  }
.Ltmp9:
0xe6: {  	(pc) =	sbr.rel @p5 .LBB2_11-.Ltmp9, $3  }
0xe7: {  	_ =	sdelay $0x1  }
0xe8: {  	s9 =	sshrl.u32 s2, $0x3  }
0xe9: {  	s2 =	sadd.s32 $0x268000, s2;
	s9 =	sadd.s32 s3, s9  }
.LBB2_12:
0xea: {  	[hbm4b:s9+s4] =	stream.linear.scatter [tilespmem:s28], [sflag:$0x2], $0x8000, $0x38;
	[tilespmem:$0x10280] =	vst v63  }
.LBB2_13:
.Ltmp10:
0xeb: {  	(pc) =	sbr.rel @p0 .LBB2_17-.Ltmp10, $2  }
0xec: {  	_ =	sdelay $0x2  }
0xed: {  	s0 =	simm.s32 $0x0  }
0xee: {  	s0 =	sadd.s32 $0x1, s0  }
0xef: {  	p5 =	slt.s32 s0, s7  }
.Ltmp11:
0xf0: {  	_ = 	snop;
	(pc) =	sbr.rel @!p5 .LBB2_16-.Ltmp11, $3  }
0xf1: {  	_ =	sdelay $0x1  }
0xf2: {  	_ =	swait.ge [sflag:s30], $0x8000  }
0xf3: {  	[sflag:s30] =	ssyncset.done $0x0  }
.LBB2_15:
0xf4: {  	s0 =	sadd.s32 $0x1, s0  }
0xf5: {  	[sflag:s30] =	ssyncadd.s32 $0xFFFF8000;
	p5 =	slt.s32 s0, s7  }
.Ltmp12:
0xf6: {  	(pc) =	sbr.rel @p5 .LBB2_15-.Ltmp12, $3  }
0xf7: {  	_ =	sdelay $0x1  }
0xf8: {  	_ =	swait.ge [sflag:s30], $0x8000  }
0xf9: {  	[sflag:s30] =	ssyncset.done $0x0  }
.LBB2_16:
0xfa: {  	[sflag:s30] =	ssyncadd.s32 $0xFFFF8000  }
.LBB2_17:
.Ltmp13:
0xfb: {  	(pc) =	sbr.rel @p2 .LBB2_21-.Ltmp13, $1  }
0xfc: {  	_ =	sdelay $0x3  }
0xfd: {  	s0 =	simm.s32 $0x0;
	s2 =	rddreg [dreg:$0x5]  }
0xfe: {  	[tilespmem:s0], [sflag:$0x4] =	stream.linear.gather [hbm4b:s2+s0], $0x80, $0x38;
	[tilespmem:$0x10280] =	vst v63  }
0xff: {  	_ =	swait.ge [sflag:s22], $0x80  }
0x100: {  	[sflag:s22] =	ssyncset.done $0x0  }
0x101: {  	[sflag:s22] =	ssyncadd.s32 $0xFFFFFF80  }
0x102: {  	v3 =	vld [tilespmem:$0x0];
	_ =	sdelay $0x4  }
0x103: {  	v4 =	vshll.u32 v3, $0x2  }
0x104: {  	v3 =	vand.u32 $0x7, v3;
	v4 =	vand.u32 $0xFFFFFFE0, v4  }
0x105: {  	v3 =	vor.u32 v3, v4  }
0x106: {  	v4 =	vperm.xlane v3, v0;
	_ =	sdelay $0x1  }
0x107: {  	v4 =	vadd.s32 v1, v4;
	_ =	sdelay $0x1  }
0x108: {  	v3 =	vperm.xlane v3, v2;
	_ =	sdelay $0x1  }
0x109: {  	v3 =	vadd.s32 v1, v3  }
0x10a: {  	[tilespmem:s23], [sflag:$0x1] =	stream.indirect_vreg.gather [hbm4b:s1+s0], $0x80, v4, vm0, $0xb8;
	[tilespmem:$0x10280] =	vst v63  }
0x10b: {  	s9 =	simm.s32 $0x8A80  }
0x10c: {  	[tilespmem:s9], [sflag:$0x1] =	stream.indirect_vreg.gather [hbm4b:s14+s0], $0x80, v4, vm0, $0xb8;
	[tilespmem:$0x10280] =	vst v63  }
0x10d: {  	s11 =	simm.s32 $0x9280  }
0x10e: {  	[tilespmem:s11], [sflag:$0x1] =	stream.indirect_vreg.gather [hbm4b:s1+s0], $0x80, v3, vm0, $0xb8;
	[tilespmem:$0x10280] =	vst v63  }
0x10f: {  	s13 =	simm.s32 $0x9A80  }
0x110: {  	[tilespmem:s13], [sflag:$0x1] =	stream.indirect_vreg.gather [hbm4b:s14+s0], $0x80, v3, vm0, $0xb8;
	[tilespmem:$0x10280] =	vst v63  }
0x111: {  	v3 =	vld [tilespmem:$0x10];
	_ =	sdelay $0x4  }
0x112: {  	v61 =	vshll.u32 v3, $0x2  }
0x113: {  	v3 =	vand.u32 $0x7, v3;
	v4 =	vand.u32 $0xFFFFFFE0, v61  }
0x114: {  	v3 =	vor.u32 v3, v4  }
0x115: {  	v4 =	vperm.xlane v3, v0;
	_ =	sdelay $0x1  }
0x116: {  	v4 =	vadd.s32 v1, v4;
	_ =	sdelay $0x1  }
0x117: {  	v3 =	vperm.xlane v3, v2;
	_ =	sdelay $0x1  }
0x118: {  	s24 =	simm.s32 $0xA280;
	v3 =	vadd.s32 v1, v3  }
0x119: {  	[tilespmem:s24], [sflag:$0x1] =	stream.indirect_vreg.gather [hbm4b:s1+s0], $0x80, v4, vm0, $0xb8;
	[tilespmem:$0x10280] =	vst v63  }
0x11a: {  	s25 =	simm.s32 $0xAA80  }
0x11b: {  	[tilespmem:s25], [sflag:$0x1] =	stream.indirect_vreg.gather [hbm4b:s14+s0], $0x80, v4, vm0, $0xb8;
	[tilespmem:$0x10280] =	vst v63  }
0x11c: {  	s9 =	simm.s32 $0xB280  }
0x11d: {  	[tilespmem:s9], [sflag:$0x1] =	stream.indirect_vreg.gather [hbm4b:s1+s0], $0x80, v3, vm0, $0xb8;
	[tilespmem:$0x10280] =	vst v63  }
0x11e: {  	s11 =	simm.s32 $0xBA80  }
0x11f: {  	[tilespmem:s11], [sflag:$0x1] =	stream.indirect_vreg.gather [hbm4b:s14+s0], $0x80, v3, vm0, $0xb8;
	[tilespmem:$0x10280] =	vst v63  }
0x120: {  	v3 =	vld [tilespmem:$0x20];
	_ =	sdelay $0x4  }
0x121: {  	v62 =	vshll.u32 v3, $0x2  }
0x122: {  	v3 =	vand.u32 $0x7, v3;
	v4 =	vand.u32 $0xFFFFFFE0, v62  }
0x123: {  	v3 =	vor.u32 v3, v4  }
0x124: {  	v4 =	vperm.xlane v3, v0;
	_ =	sdelay $0x1  }
0x125: {  	v4 =	vadd.s32 v1, v4;
	_ =	sdelay $0x1  }
0x126: {  	v3 =	vperm.xlane v3, v2;
	_ =	sdelay $0x1  }
0x127: {  	s13 =	simm.s32 $0xC280;
	v3 =	vadd.s32 v1, v3  }
0x128: {  	[tilespmem:s13], [sflag:$0x1] =	stream.indirect_vreg.gather [hbm4b:s1+s0], $0x80, v4, vm0, $0xb8;
	[tilespmem:$0x10280] =	vst v63  }
0x129: {  	s24 =	simm.s32 $0xCA80  }
0x12a: {  	[tilespmem:s24], [sflag:$0x1] =	stream.indirect_vreg.gather [hbm4b:s14+s0], $0x80, v4, vm0, $0xb8;
	[tilespmem:$0x10280] =	vst v63  }
0x12b: {  	s25 =	simm.s32 $0xD280  }
0x12c: {  	[tilespmem:s25], [sflag:$0x1] =	stream.indirect_vreg.gather [hbm4b:s1+s0], $0x80, v3, vm0, $0xb8;
	[tilespmem:$0x10280] =	vst v63  }
0x12d: {  	s9 =	simm.s32 $0xDA80  }
0x12e: {  	[tilespmem:s9], [sflag:$0x1] =	stream.indirect_vreg.gather [hbm4b:s14+s0], $0x80, v3, vm0, $0xb8;
	[tilespmem:$0x10280] =	vst v63  }
0x12f: {  	v3 =	vld [tilespmem:$0x30];
	_ =	sdelay $0x4  }
0x130: {  	v63 =	vshll.u32 v3, $0x2  }
0x131: {  	v3 =	vand.u32 $0x7, v3;
	v4 =	vand.u32 $0xFFFFFFE0, v63  }
0x132: {  	v3 =	vor.u32 v3, v4  }
0x133: {  	v4 =	vperm.xlane v3, v0;
	_ =	sdelay $0x1  }
0x134: {  	v4 =	vadd.s32 v1, v4;
	_ =	sdelay $0x1  }
0x135: {  	v3 =	vperm.xlane v3, v2;
	_ =	sdelay $0x1  }
0x136: {  	s11 =	simm.s32 $0xE280;
	v3 =	vadd.s32 v1, v3  }
0x137: {  	[tilespmem:s11], [sflag:$0x1] =	stream.indirect_vreg.gather [hbm4b:s1+s0], $0x80, v4, vm0, $0xb8;
	[tilespmem:$0x10280] =	vst v63  }
0x138: {  	s13 =	simm.s32 $0xEA80  }
0x139: {  	[tilespmem:s13], [sflag:$0x1] =	stream.indirect_vreg.gather [hbm4b:s14+s0], $0x80, v4, vm0, $0xb8;
	[tilespmem:$0x10280] =	vst v63  }
0x13a: {  	p5 =	sgt.s32 s10, $0x1;
	s24 =	simm.s32 $0xF280  }
0x13b: {  	[tilespmem:s24], [sflag:$0x1] =	stream.indirect_vreg.gather [hbm4b:s1+s0], $0x80, v3, vm0, $0xb8;
	[tilespmem:$0x10280] =	vst v63  }
.Ltmp14:
0x13c: {  	_ = 	snop;
	(pc) =	sbr.rel @!p5 .LBB2_20-.Ltmp14, $4  }
0x13d: {  	[tilespmem:s26], [sflag:$0x1] =	stream.indirect_vreg.gather [hbm4b:s14+s0], $0x80, v3, vm0, $0xb8;
	[tilespmem:$0x10280] =	vst v63  }
0x13e: {  	_ =	swait.ge [sflag:s5], $0x8000  }
0x13f: {  	s2 =	sadd.s32 $0x268000, s20;
	s25 =	sshrl.u32 s20, $0x3;
	[sflag:s5] =	ssyncset.done $0x0  }
0x140: {  	s9 =	sadd.s32 s3, s25;
	s0 =	simm.s32 $0x1;
	[sflag:s5] =	ssyncadd.s32 $0xFFFF8000  }
.LBB2_19:
0x141: {  	[hbm4b:s9+s4] =	stream.linear.scatter [tilespmem:s23], [sflag:$0x3], $0x8000, $0x38;
	[tilespmem:$0x10280] =	vst v63  }
0x142: {  	s0 =	sadd.s32 $0x1, s0  }
0x143: {  	p5 =	slt.s32 s0, s10  }
.Ltmp15:
0x144: {  	(pc) =	sbr.rel @p5 .LBB2_19-.Ltmp15, $3  }
0x145: {  	_ =	sdelay $0x1  }
0x146: {  	s9 =	sshrl.u32 s2, $0x3  }
0x147: {  	s2 =	sadd.s32 $0x268000, s2;
	s9 =	sadd.s32 s3, s9  }
.LBB2_20:
0x148: {  	[hbm4b:s9+s4] =	stream.linear.scatter [tilespmem:s23], [sflag:$0x3], $0x8000, $0x38;
	[tilespmem:$0x10280] =	vst v63  }
.LBB2_21:
.Ltmp16:
0x149: {  	(pc) =	sbr.rel @p1 .LBB2_25-.Ltmp16, $2  }
0x14a: {  	_ =	sdelay $0x2  }
0x14b: {  	s0 =	simm.s32 $0x0  }
0x14c: {  	s0 =	sadd.s32 $0x1, s0  }
0x14d: {  	p5 =	sgt.s32 s8, s0  }
.Ltmp17:
0x14e: {  	_ = 	snop;
	(pc) =	sbr.rel @!p5 .LBB2_24-.Ltmp17, $3  }
0x14f: {  	_ =	sdelay $0x1  }
0x150: {  	_ =	swait.ge [sflag:s29], $0x8000  }
0x151: {  	[sflag:s29] =	ssyncset.done $0x0  }
.LBB2_23:
0x152: {  	s0 =	sadd.s32 $0x1, s0  }
0x153: {  	[sflag:s29] =	ssyncadd.s32 $0xFFFF8000;
	p5 =	sgt.s32 s8, s0  }
.Ltmp18:
0x154: {  	(pc) =	sbr.rel @p5 .LBB2_23-.Ltmp18, $3  }
0x155: {  	_ =	sdelay $0x1  }
0x156: {  	_ =	swait.ge [sflag:s29], $0x8000  }
0x157: {  	[sflag:s29] =	ssyncset.done $0x0  }
.LBB2_24:
0x158: {  	[sflag:s29] =	ssyncadd.s32 $0xFFFF8000  }
.LBB2_25:
.Ltmp19:
0x159: {  	(pc) =	sbr.rel @p3 .LBB2_31-.Ltmp19, $1  }
0x15a: {  	_ =	sdelay $0x3  }
0x15b: {  	s2 =	simm.s32 $0x0;
	s0 =	rddreg [dreg:$0x6]  }
0x15c: {  	[tilespmem:s2], [sflag:$0x4] =	stream.linear.gather [hbm4b:s0+s2], $0x80, $0x38;
	[tilespmem:$0x10280] =	vst v63  }
0x15d: {  	_ =	swait.ge [sflag:s22], $0x80  }
0x15e: {  	[sflag:s22] =	ssyncset.done $0x0  }
0x15f: {  	[sflag:s22] =	ssyncadd.s32 $0xFFFFFF80  }
0x160: {  	v3 =	vld [tilespmem:$0x0];
	_ =	sdelay $0x4  }
0x161: {  	v4 =	vshll.u32 v3, $0x2  }
0x162: {  	v3 =	vand.u32 $0x7, v3;
	v4 =	vand.u32 $0xFFFFFFE0, v4  }
0x163: {  	v3 =	vor.u32 v3, v4  }
0x164: {  	v4 =	vperm.xlane v3, v0;
	_ =	sdelay $0x1  }
0x165: {  	v4 =	vadd.s32 v1, v4;
	_ =	sdelay $0x1  }
0x166: {  	v3 =	vperm.xlane v3, v2;
	_ =	sdelay $0x1  }
0x167: {  	v3 =	vadd.s32 v1, v3  }
0x168: {  	[tilespmem:s28], [sflag:$0x1] =	stream.indirect_vreg.gather [hbm4b:s1+s2], $0x80, v4, vm0, $0xb8;
	[tilespmem:$0x10280] =	vst v63  }
0x169: {  	s9 =	simm.s32 $0xA80  }
0x16a: {  	[tilespmem:s9], [sflag:$0x1] =	stream.indirect_vreg.gather [hbm4b:s14+s2], $0x80, v4, vm0, $0xb8;
	[tilespmem:$0x10280] =	vst v63  }
0x16b: {  	s11 =	simm.s32 $0x1280  }
0x16c: {  	[tilespmem:s11], [sflag:$0x1] =	stream.indirect_vreg.gather [hbm4b:s1+s2], $0x80, v3, vm0, $0xb8;
	[tilespmem:$0x10280] =	vst v63  }
0x16d: {  	s13 =	simm.s32 $0x1A80  }
0x16e: {  	[tilespmem:s13], [sflag:$0x1] =	stream.indirect_vreg.gather [hbm4b:s14+s2], $0x80, v3, vm0, $0xb8;
	[tilespmem:$0x10280] =	vst v63  }
0x16f: {  	v3 =	vld [tilespmem:$0x10];
	_ =	sdelay $0x4  }
0x170: {  	v61 =	vshll.u32 v3, $0x2  }
0x171: {  	v3 =	vand.u32 $0x7, v3;
	v4 =	vand.u32 $0xFFFFFFE0, v61  }
0x172: {  	v3 =	vor.u32 v3, v4  }
0x173: {  	v4 =	vperm.xlane v3, v0;
	_ =	sdelay $0x1  }
0x174: {  	v4 =	vadd.s32 v1, v4;
	_ =	sdelay $0x1  }
0x175: {  	v3 =	vperm.xlane v3, v2;
	_ =	sdelay $0x1  }
0x176: {  	s24 =	simm.s32 $0x2280;
	v3 =	vadd.s32 v1, v3  }
0x177: {  	[tilespmem:s24], [sflag:$0x1] =	stream.indirect_vreg.gather [hbm4b:s1+s2], $0x80, v4, vm0, $0xb8;
	[tilespmem:$0x10280] =	vst v63  }
0x178: {  	s25 =	simm.s32 $0x2A80  }
0x179: {  	[tilespmem:s25], [sflag:$0x1] =	stream.indirect_vreg.gather [hbm4b:s14+s2], $0x80, v4, vm0, $0xb8;
	[tilespmem:$0x10280] =	vst v63  }
0x17a: {  	s9 =	simm.s32 $0x3280  }
0x17b: {  	[tilespmem:s9], [sflag:$0x1] =	stream.indirect_vreg.gather [hbm4b:s1+s2], $0x80, v3, vm0, $0xb8;
	[tilespmem:$0x10280] =	vst v63  }
0x17c: {  	s11 =	simm.s32 $0x3A80  }
0x17d: {  	[tilespmem:s11], [sflag:$0x1] =	stream.indirect_vreg.gather [hbm4b:s14+s2], $0x80, v3, vm0, $0xb8;
	[tilespmem:$0x10280] =	vst v63  }
0x17e: {  	v3 =	vld [tilespmem:$0x20];
	_ =	sdelay $0x4  }
0x17f: {  	v62 =	vshll.u32 v3, $0x2  }
0x180: {  	v3 =	vand.u32 $0x7, v3;
	v4 =	vand.u32 $0xFFFFFFE0, v62  }
0x181: {  	v3 =	vor.u32 v3, v4  }
0x182: {  	v4 =	vperm.xlane v3, v0;
	_ =	sdelay $0x1  }
0x183: {  	v4 =	vadd.s32 v1, v4;
	_ =	sdelay $0x1  }
0x184: {  	v3 =	vperm.xlane v3, v2;
	_ =	sdelay $0x1  }
0x185: {  	s13 =	simm.s32 $0x4280;
	v3 =	vadd.s32 v1, v3  }
0x186: {  	[tilespmem:s13], [sflag:$0x1] =	stream.indirect_vreg.gather [hbm4b:s1+s2], $0x80, v4, vm0, $0xb8;
	[tilespmem:$0x10280] =	vst v63  }
0x187: {  	s24 =	simm.s32 $0x4A80  }
0x188: {  	[tilespmem:s24], [sflag:$0x1] =	stream.indirect_vreg.gather [hbm4b:s14+s2], $0x80, v4, vm0, $0xb8;
	[tilespmem:$0x10280] =	vst v63  }
0x189: {  	s25 =	simm.s32 $0x5280  }
0x18a: {  	[tilespmem:s25], [sflag:$0x1] =	stream.indirect_vreg.gather [hbm4b:s1+s2], $0x80, v3, vm0, $0xb8;
	[tilespmem:$0x10280] =	vst v63  }
0x18b: {  	s9 =	simm.s32 $0x5A80  }
0x18c: {  	[tilespmem:s9], [sflag:$0x1] =	stream.indirect_vreg.gather [hbm4b:s14+s2], $0x80, v3, vm0, $0xb8;
	[tilespmem:$0x10280] =	vst v63  }
0x18d: {  	v3 =	vld [tilespmem:$0x30];
	_ =	sdelay $0x4  }
0x18e: {  	v63 =	vshll.u32 v3, $0x2  }
0x18f: {  	v3 =	vand.u32 $0x7, v3;
	v4 =	vand.u32 $0xFFFFFFE0, v63  }
0x190: {  	v3 =	vor.u32 v3, v4  }
0x191: {  	v4 =	vperm.xlane v3, v0;
	_ =	sdelay $0x1  }
0x192: {  	v4 =	vadd.s32 v1, v4;
	_ =	sdelay $0x1  }
0x193: {  	v3 =	vperm.xlane v3, v2;
	_ =	sdelay $0x1  }
0x194: {  	s11 =	simm.s32 $0x6280;
	v3 =	vadd.s32 v1, v3  }
0x195: {  	[tilespmem:s11], [sflag:$0x1] =	stream.indirect_vreg.gather [hbm4b:s1+s2], $0x80, v4, vm0, $0xb8;
	[tilespmem:$0x10280] =	vst v63  }
0x196: {  	s13 =	simm.s32 $0x6A80  }
0x197: {  	[tilespmem:s13], [sflag:$0x1] =	stream.indirect_vreg.gather [hbm4b:s14+s2], $0x80, v4, vm0, $0xb8;
	[tilespmem:$0x10280] =	vst v63  }
0x198: {  	p5 =	sgt.s32 s12, $0x1;
	s24 =	simm.s32 $0x7280  }
0x199: {  	[tilespmem:s24], [sflag:$0x1] =	stream.indirect_vreg.gather [hbm4b:s1+s2], $0x80, v3, vm0, $0xb8;
	[tilespmem:$0x10280] =	vst v63  }
.Ltmp20:
0x19a: {  	s25 =	simm.s32 $0x7A80;
	(pc) =	sbr.rel @!p5 .LBB2_28-.Ltmp20, $4  }
0x19b: {  	[tilespmem:s25], [sflag:$0x1] =	stream.indirect_vreg.gather [hbm4b:s14+s2], $0x80, v3, vm0, $0xb8;
	[tilespmem:$0x10280] =	vst v63  }
0x19c: {  	_ =	swait.ge [sflag:s5], $0x8000  }
0x19d: {  	s0 =	simm.s32 $0x1;
	s9 =	sshrl.u32 s21, $0x3;
	[sflag:s5] =	ssyncset.done $0x0  }
0x19e: {  	s11 =	sadd.s32 s3, s9;
	s9 =	sadd.s32 $0x268000, s21;
	[sflag:s5] =	ssyncadd.s32 $0xFFFF8000  }
.LBB2_27:
0x19f: {  	[hbm4b:s11+s2] =	stream.linear.scatter [tilespmem:s28], [sflag:$0x2], $0x8000, $0x38;
	[tilespmem:$0x10280] =	vst v63  }
0x1a0: {  	s0 =	sadd.s32 $0x1, s0  }
0x1a1: {  	p5 =	slt.s32 s0, s12  }
.Ltmp21:
0x1a2: {  	(pc) =	sbr.rel @p5 .LBB2_27-.Ltmp21, $3  }
0x1a3: {  	_ =	sdelay $0x1  }
0x1a4: {  	s11 =	sshrl.u32 s9, $0x3  }
0x1a5: {  	s9 =	sadd.s32 $0x268000, s9;
	s11 =	sadd.s32 s3, s11  }
.LBB2_28:
0x1a6: {  	p5 =	sgt.s32 s12, $0x1  }
.Ltmp22:
0x1a7: {  	_ = 	snop;
	(pc) =	sbr.rel @!p5 .LBB2_30-.Ltmp22, $4  }
0x1a8: {  	_ = 	snop  }
0x1a9: {  	[hbm4b:s11+s2] =	stream.linear.scatter [tilespmem:s28], [sflag:$0x2], $0x8000, $0x38;
	[tilespmem:$0x10280] =	vst v63  }
0x1aa: {  	_ =	swait.ge [sflag:s29], $0x8000  }
0x1ab: {  	s0 =	simm.s32 $0x1;
	[sflag:s29] =	ssyncset.done $0x0  }
.LBB2_29:
0x1ac: {  	s0 =	sadd.s32 $0x1, s0  }
0x1ad: {  	[sflag:s29] =	ssyncadd.s32 $0xFFFF8000;
	p5 =	sgt.s32 s12, s0  }
.Ltmp23:
0x1ae: {  	(pc) =	sbr.rel @p5 .LBB2_29-.Ltmp23, $3  }
0x1af: {  	_ =	sdelay $0x1  }
0x1b0: {  	_ =	swait.ge [sflag:s29], $0x8000  }
0x1b1: {  	[sflag:s29] =	ssyncset.done $0x0  }
.LBB2_30:
0x1b2: {  	[sflag:s29] =	ssyncadd.s32 $0xFFFF8000  }
.LBB2_31:
.Ltmp24:
0x1b3: {  	(pc) =	sbr.rel @!p4 .LBB2_35-.Ltmp24, $2  }
0x1b4: {  	_ =	sdelay $0x2  }
0x1b5: {  	s0 =	simm.s32 $0x0  }
0x1b6: {  	s0 =	sadd.s32 $0x1, s0  }
0x1b7: {  	p5 =	sgt.s32 s10, s0  }
.Ltmp25:
0x1b8: {  	_ = 	snop;
	(pc) =	sbr.rel @!p5 .LBB2_34-.Ltmp25, $3  }
0x1b9: {  	_ =	sdelay $0x1  }
0x1ba: {  	_ =	swait.ge [sflag:s30], $0x8000  }
0x1bb: {  	[sflag:s30] =	ssyncset.done $0x0  }
.LBB2_33:
0x1bc: {  	s0 =	sadd.s32 $0x1, s0  }
0x1bd: {  	[sflag:s30] =	ssyncadd.s32 $0xFFFF8000;
	p5 =	sgt.s32 s10, s0  }
.Ltmp26:
0x1be: {  	(pc) =	sbr.rel @p5 .LBB2_33-.Ltmp26, $3  }
0x1bf: {  	_ =	sdelay $0x1  }
0x1c0: {  	_ =	swait.ge [sflag:s30], $0x8000  }
0x1c1: {  	[sflag:s30] =	ssyncset.done $0x0  }
.Ltmp27:
0x1c2: {  	_ = 	snop;
	(pc) =	sbr.rel .LBB2_34-.Ltmp27, $1  }
0x1c3: {  	_ =	sdelay $0x3  }
.LBB2_36:
0x1c4: {  	_ =	sfence.sel $0x180000  }
0x1c5: {  	[bflag:$0x0] =	sbarrier.arrive $0xFFFF  }
0x1c6: {  	_ =	strace $0x90000047  }
0x1c7: {  	s0 =	stileid.u32;
	[bflag:$0x2] =	sbarrier.arrive $0xFFFF  }
0x1c8: {  	p0 =	sne.s32 s0, $0x0;
	s0 =	rddreg [dreg:$0x3]  }
0x1c9: {  	s0 =	sadd.s32 @!p0 $0x100000, s0  }
0x1ca: {  	[sflag:s0] =	ssyncadd.tile.s32 @!p0 $0x1;
	_ =	shalt  }
.Lfunc_end2:
_tile_overlayer_lowered:
.L_overlay_start_2:
0x1cb: {  	(tag) =	ssettag $0x2  }
0x1cc: {  	s0 =	rddreg [dreg:$0x0];
	s2 =	stileid.u32  }
0x1cd: {  	s1 =	rddreg [dreg:$0x1];
	p0 =	sne.s32 s2, $0x0  }
0x1ce: {  	s3 =	rddreg [dreg:$0x2];
	[bflag:$0x3] =	sbarrier.arrive $0xFFFF;
	s2 =	simm.s32 @!p0 $0x1C04  }
0x1cf: {  	[timem:s3], [sflag:s2] =	dma.local @!p0 [hbm:s0], s1  }
0x1d0: {  	s0 =	simm.s32 @!p0 $0x4  }
0x1d1: {  	_ =	swait.ge @!p0 [sflag:s0], s1  }
0x1d2: {  	s1 =	ssub.s32 @!p0 $0x0, s1;
	[sflag:s0] =	ssyncset.done @!p0 $0x0  }
0x1d3: {  	[sflag:s0] =	ssyncadd.s32 @!p0 s1  }
0x1d4: {  	[bflag:$0x3] =	sbarrier.arrive $0xFFFF  }
0x1d5: {  	_ =	shalt  }

</sc_bundles>
